<compile_context>
chip_gen: v7x
topology: tpu7x:2x2x1
jax: 0.10.2.dev20260603
libtpu: 0.0.44.dev20260713+nightly
codegen_flags: <defaults>
</compile_context>

<pallas_src>
import functools

import jax
import jax.numpy as jnp
from jax import lax
from jax.experimental import pallas as pl
from jax.experimental.pallas import tpu as pltpu
from jax.experimental.pallas import tpu_sc as plsc

_B = 16384
_D = 64
_NC = 2
_NS = 16
_NW = _NC * _NS
_ROWS_PER_W = _B // _NW


def _sc_gather(user, item, utab3, itab3):
    mesh = plsc.VectorSubcoreMesh(core_axis_name="c", subcore_axis_name="s")
    half = _ROWS_PER_W // 2

    @functools.partial(
        pl.kernel,
        mesh=mesh,
        compiler_params=pltpu.CompilerParams(use_tc_tiling_on_sc=True),
        out_type=[
            jax.ShapeDtypeStruct((_B, _D), jnp.float32),
            jax.ShapeDtypeStruct((_B, _D), jnp.float32),
        ],
        scratch_types=[
            pltpu.VMEM((_ROWS_PER_W,), jnp.int32),
            pltpu.VMEM((_ROWS_PER_W,), jnp.int32),
            pltpu.VMEM((half, _D), jnp.float32),
            pltpu.VMEM((half, _D), jnp.float32),
            pltpu.SemaphoreType.DMA,
            pltpu.SemaphoreType.DMA,
        ],
    )
    def gather_kernel(uidx_hbm, iidx_hbm, utab_hbm, itab_hbm, u_out, i_out,
                      uidx_v, iidx_v, urows_v, irows_v, usem, isem):
        wid = lax.axis_index("s") * _NC + lax.axis_index("c")
        base = wid * _ROWS_PER_W
        pltpu.sync_copy(uidx_hbm.at[pl.ds(base, _ROWS_PER_W)], uidx_v)
        pltpu.sync_copy(iidx_hbm.at[pl.ds(base, _ROWS_PER_W)], iidx_v)

        for p in range(2):
            def issue(g, _):
                uvec = uidx_v[pl.ds(p * half + g * 16, 16)]
                ivec = iidx_v[pl.ds(p * half + g * 16, 16)]
                for j in range(16):
                    r = uvec[j]
                    pltpu.async_copy(
                        utab_hbm.at[r >> 3, pl.ds(r & 7, 1)],
                        urows_v.at[pl.ds(g * 16 + j, 1)], usem)
                    r2 = ivec[j]
                    pltpu.async_copy(
                        itab_hbm.at[pl.ds(r2, 1)],
                        irows_v.at[pl.ds(g * 16 + j, 1)], isem)
                return 0

            lax.fori_loop(0, half // 16, issue, 0)

            pltpu.make_async_copy(itab_hbm.at[pl.ds(0, half)], urows_v,
                                  usem).wait()
            pltpu.make_async_copy(itab_hbm.at[pl.ds(0, half)], irows_v,
                                  isem).wait()
            pltpu.sync_copy(urows_v, u_out.at[pl.ds(base + p * half, half)])
            pltpu.sync_copy(irows_v, i_out.at[pl.ds(base + p * half, half)])

    return gather_kernel(user, item, utab3, itab3)


_T = 8192


def _mlp_body(u_ref, i_ref, w1u_ref, w1i_ref, b1_ref, w2_ref, b2_ref,
              w3_ref, b3_ref, o_ref):
    u16 = u_ref[...].astype(jnp.bfloat16)
    i16 = i_ref[...].astype(jnp.bfloat16)
    h = jnp.dot(u16, w1u_ref[...], preferred_element_type=jnp.float32)
    h = h + jnp.dot(i16, w1i_ref[...], preferred_element_type=jnp.float32)
    h = jnp.maximum(h + b1_ref[...], 0.0)
    h2 = jnp.dot(h.astype(jnp.bfloat16), w2_ref[...],
                 preferred_element_type=jnp.float32)
    h2 = jnp.maximum(h2 + b2_ref[...], 0.0)
    o_ref[...] = jnp.sum(h2 * w3_ref[...], axis=1) + b3_ref[0, 0]


def _tc_mlp(u, i, W1, b1, W2, b2, W3, b3):
    w1u = W1[:, :_D].T.astype(jnp.bfloat16)
    w1i = W1[:, _D:].T.astype(jnp.bfloat16)
    b1r = b1.reshape(1, 128)
    w2t = W2.T.astype(jnp.bfloat16)
    b2r = b2.reshape(1, 64)
    w3r = W3.reshape(1, 64)
    b3r = b3.reshape(1, 1)
    grid = (_B // _T,)
    full = lambda shape: pl.BlockSpec(shape, lambda b: (0, 0))
    return pl.pallas_call(
        _mlp_body,
        grid=grid,
        in_specs=[
            pl.BlockSpec((_T, _D), lambda b: (b, 0)),
            pl.BlockSpec((_T, _D), lambda b: (b, 0)),
            full((_D, 128)),
            full((_D, 128)),
            full((1, 128)),
            full((128, _D)),
            full((1, _D)),
            full((1, _D)),
            full((1, 1)),
        ],
        out_specs=pl.BlockSpec((_T,), lambda b: (b,)),
        out_shape=jax.ShapeDtypeStruct((_B,), jnp.float32),
    )(u, i, w1u, w1i, b1r, w2t, b2r, w3r, b3r)


def kernel(user, item, user_table, item_table, W1, b1, W2, b2, W3, b3):
    utab3 = user_table.reshape(125000, 8, _D)
    u, i = _sc_gather(user, item, utab3, item_table)
    return _tc_mlp(u, i, W1, b1, W2, b2, W3, b3)

# --- scband reference (transcript-rebuilt; emitter-appended) ---
"""Pipeline reference for scband-ncf-10290741641281 (READ-ONLY COPY).

The authoritative reference and input builder live on the scoring server;
editing this copy changes nothing except your own understanding.
"""

import jax, jax.numpy as jnp
import numpy as np

N_USERS = 1000000
N_ITEMS = 100000
EMB_DIM = 64
BATCH = 16384


def setup_inputs(seed: int = 0) -> dict:
    key = jax.random.key(seed)
    ks = jax.random.split(key, 10)
    user = jax.random.randint(ks[0], (BATCH,), 0, N_USERS, dtype=jnp.int64 if jax.config.read('jax_enable_x64') else jnp.int32).astype(jnp.int32)
    item = jax.random.randint(ks[1], (BATCH,), 0, N_ITEMS).astype(jnp.int32)
    user_table = jax.random.normal(ks[2], (N_USERS, EMB_DIM), dtype=jnp.float32) * 0.05
    item_table = jax.random.normal(ks[3], (N_ITEMS, EMB_DIM), dtype=jnp.float32) * 0.05
    W1 = jax.random.normal(ks[4], (128, EMB_DIM * 2), dtype=jnp.float32) * (1.0 / np.sqrt(EMB_DIM * 2))
    b1 = jnp.zeros((128,), dtype=jnp.float32)
    W2 = jax.random.normal(ks[5], (64, 128), dtype=jnp.float32) * (1.0 / np.sqrt(128))
    b2 = jnp.zeros((64,), dtype=jnp.float32)
    W3 = jax.random.normal(ks[6], (1, 64), dtype=jnp.float32) * (1.0 / np.sqrt(64))
    b3 = jnp.zeros((1,), dtype=jnp.float32)
    return {"user": user, "item": item, "user_table": user_table, "item_table": item_table,
            "W1": W1, "b1": b1, "W2": W2, "b2": b2, "W3": W3, "b3": b3}


def reference(user, item, user_table, item_table, W1, b1, W2, b2, W3, b3):
    u = jnp.take(user_table, user, axis=0)
    i = jnp.take(item_table, item, axis=0)
    x = jnp.concatenate([u, i], axis=1)
    h = jax.nn.relu(x @ W1.T + b1)
    h = jax.nn.relu(h @ W2.T + b2)
    out = h @ W3.T + b3
    return jnp.squeeze(out, axis=-1)

if __name__ == "__main__":
    import jax
    _d = setup_inputs()
    print(jax.jit(kernel)(*tuple(_d.values())))

</pallas_src>

<mosaic_0001>
#map = affine_map<(d0, d1) -> (0)>
#map1 = affine_map<(d0, d1) -> (0, 0, 0)>
#map2 = affine_map<(d0, d1) -> (0, 0)>
module attributes {stable_mosaic.version = 14 : i64} {
  func.func @gather_kernel(%arg0: i32, %arg1: i32, %arg2: memref<16384xi32, #tpu.memory_space<hbm>>, %arg3: memref<16384xi32, #tpu.memory_space<hbm>>, %arg4: memref<125000x8x64xf32, #tpu.memory_space<hbm>>, %arg5: memref<100000x64xf32, #tpu.memory_space<hbm>>, %arg6: memref<16384x64xf32, #tpu.memory_space<hbm>>, %arg7: memref<16384x64xf32, #tpu.memory_space<hbm>>, %arg8: memref<512xi32, #tpu.memory_space<vmem>>, %arg9: memref<512xi32, #tpu.memory_space<vmem>>, %arg10: memref<256x64xf32, #tpu.memory_space<vmem>>, %arg11: memref<256x64xf32, #tpu.memory_space<vmem>>, %arg12: memref<!tpu.dma_semaphore, #tpu.memory_space<semaphore_mem>>, %arg13: memref<!tpu.dma_semaphore, #tpu.memory_space<semaphore_mem>>) attributes {dimension_semantics = [#tpu.dimension_semantics<core_parallel>, #tpu.dimension_semantics<subcore_parallel>], iteration_bounds = array<i64: 2, 16>, scalar_prefetch = 0 : i64, scratch_operands = 6 : i64, tpu.core_type = #tpu.core_type<sc_vector_subcore>, window_params = [{transform_indices = #map}, {transform_indices = #map}, {transform_indices = #map1}, {transform_indices = #map2}, {transform_indices = #map2}, {transform_indices = #map2}]} {
    %mul3A = arith.constant 2 : i32
    %mul3A_0 = arith.muli %arg1, %mul3A : i32
    %add3A = arith.addi %mul3A_0, %arg0 : i32
    %mul3A_1 = arith.constant 512 : i32
    %mul3A_2 = arith.muli %add3A, %mul3A_1 : i32
    "tpu.region"() ({
      %run_scoped3A = tpu.sem_alloc : memref<!tpu.dma_semaphore, #tpu.memory_space<semaphore_mem>>
      %dma_start3A = tpu.memref_slice %arg2[%mul3A_2] : memref<16384xi32, #tpu.memory_space<hbm>> -> memref<512xi32, #tpu.memory_space<hbm>>
      %dma_start3A_47 = tpu.memref_slice %arg2[%mul3A_2] : memref<16384xi32, #tpu.memory_space<hbm>> -> memref<512xi32, #tpu.memory_space<hbm>>
      tpu.enqueue_dma source(%dma_start3A_47 : memref<512xi32, #tpu.memory_space<hbm>>) target(%arg8 : memref<512xi32, #tpu.memory_space<vmem>>) target_semaphore(%run_scoped3A : memref<!tpu.dma_semaphore, #tpu.memory_space<semaphore_mem>>)
      %dma_wait3A_48 = tpu.memref_slice %arg2[%mul3A_2] : memref<16384xi32, #tpu.memory_space<hbm>> -> memref<512xi32, #tpu.memory_space<hbm>>
      %dma_wait3A_49 = tpu.memref_slice %arg2[%mul3A_2] : memref<16384xi32, #tpu.memory_space<hbm>> -> memref<512xi32, #tpu.memory_space<hbm>>
      tpu.wait_dma2 semaphore(%run_scoped3A : memref<!tpu.dma_semaphore, #tpu.memory_space<semaphore_mem>>) src(%dma_wait3A_49 : memref<512xi32, #tpu.memory_space<hbm>>) dst(%arg8 : memref<512xi32, #tpu.memory_space<vmem>>)
      tpu.yield
    }) : () -> ()
    "tpu.region"() ({
      %run_scoped3A = tpu.sem_alloc : memref<!tpu.dma_semaphore, #tpu.memory_space<semaphore_mem>>
      %dma_start3A = tpu.memref_slice %arg3[%mul3A_2] : memref<16384xi32, #tpu.memory_space<hbm>> -> memref<512xi32, #tpu.memory_space<hbm>>
      %dma_start3A_47 = tpu.memref_slice %arg3[%mul3A_2] : memref<16384xi32, #tpu.memory_space<hbm>> -> memref<512xi32, #tpu.memory_space<hbm>>
      tpu.enqueue_dma source(%dma_start3A_47 : memref<512xi32, #tpu.memory_space<hbm>>) target(%arg9 : memref<512xi32, #tpu.memory_space<vmem>>) target_semaphore(%run_scoped3A : memref<!tpu.dma_semaphore, #tpu.memory_space<semaphore_mem>>)
      %dma_wait3A_48 = tpu.memref_slice %arg3[%mul3A_2] : memref<16384xi32, #tpu.memory_space<hbm>> -> memref<512xi32, #tpu.memory_space<hbm>>
      %dma_wait3A_49 = tpu.memref_slice %arg3[%mul3A_2] : memref<16384xi32, #tpu.memory_space<hbm>> -> memref<512xi32, #tpu.memory_space<hbm>>
      tpu.wait_dma2 semaphore(%run_scoped3A : memref<!tpu.dma_semaphore, #tpu.memory_space<semaphore_mem>>) src(%dma_wait3A_49 : memref<512xi32, #tpu.memory_space<hbm>>) dst(%arg9 : memref<512xi32, #tpu.memory_space<vmem>>)
      tpu.yield
    }) : () -> ()
    %scan3A = arith.constant 0 : i32
    %scan3A_3 = arith.constant 0 : i32
    %scan3A_4 = arith.constant 16 : i32
    %scan3A_5 = arith.addi %scan3A_3, %scan3A_4 : i32
    %scan3A_6 = arith.constant 1 : i32
    %scan3A_7 = scf.for %scan3A_47 = %scan3A_3 to %scan3A_5 step %scan3A_6 iter_args(%scan3A_48 = %scan3A) -> (i32)  : i32 {
      %mul3A_49 = arith.constant 16 : i32
      %mul3A_50 = arith.muli %scan3A_47, %mul3A_49 : i32
      %add3A_51 = arith.constant 0 : i32
      %add3A_52 = arith.addi %add3A_51, %mul3A_50 : i32
      %get3A = arith.index_cast %add3A_52 : i32 to index
      %get3A_53 = tpu.vector_load %arg8[%get3A] {strides = array<i32>} : memref<512xi32, #tpu.memory_space<vmem>>, vector<16xi32>,
      %get3A_54 = vector.shape_cast %get3A_53 : vector<16xi32> to vector<16xi32>
      %mul3A_55 = arith.constant 16 : i32
      %mul3A_56 = arith.muli %scan3A_47, %mul3A_55 : i32
      %add3A_57 = arith.constant 0 : i32
      %add3A_58 = arith.addi %add3A_57, %mul3A_56 : i32
      %get3A_59 = arith.index_cast %add3A_58 : i32 to index
      %get3A_60 = tpu.vector_load %arg9[%get3A_59] {strides = array<i32>} : memref<512xi32, #tpu.memory_space<vmem>>, vector<16xi32>,
      %get3A_61 = vector.shape_cast %get3A_60 : vector<16xi32> to vector<16xi32>
      %slice3A = vector.extract_strided_slice %get3A_54 {offsets = [0], sizes = [1], strides = [1]} : vector<16xi32> to vector<1xi32>
      %squeeze3A = vector.extract %slice3A[0] : i32 from vector<1xi32>
      %shift_right_arithmetic3A = arith.constant 3 : i32
      %shift_right_arithmetic3A_62 = arith.shrsi %squeeze3A, %shift_right_arithmetic3A : i32
      %and3A = arith.constant 7 : i32
      %and3A_63 = arith.andi %squeeze3A, %and3A : i32
      %mul3A_64 = arith.constant 16 : i32
      %mul3A_65 = arith.muli %scan3A_47, %mul3A_64 : i32
      %add3A_66 = arith.constant 0 : i32
      %add3A_67 = arith.addi %mul3A_65, %add3A_66 : i32
      %dma_start3A = arith.constant 0 : i32
      %dma_start3A_68 = tpu.memref_slice %arg10[%add3A_67, %dma_start3A] : memref<256x64xf32, #tpu.memory_space<vmem>> -> memref<1x64xf32, #tpu.memory_space<vmem>>
      %dma_start3A_69 = arith.constant 0 : i32
      %dma_start3A_70 = tpu.memref_slice %arg4[%shift_right_arithmetic3A_62, %and3A_63, %dma_start3A_69] : memref<125000x8x64xf32, #tpu.memory_space<hbm>> -> memref<1x1x64xf32, #tpu.memory_space<hbm>>
      %dma_start3A_71 = tpu.memref_squeeze %dma_start3A_70 : memref<1x1x64xf32, #tpu.memory_space<hbm>> -> memref<1x64xf32, #tpu.memory_space<hbm>>
      %dma_start3A_72 = arith.constant 0 : i32
      %dma_start3A_73 = tpu.memref_slice %arg10[%add3A_67, %dma_start3A_72] : memref<256x64xf32, #tpu.memory_space<vmem>> -> memref<1x64xf32, #tpu.memory_space<vmem>>
      %dma_start3A_74 = arith.constant 0 : i32
      %dma_start3A_75 = tpu.memref_slice %arg4[%shift_right_arithmetic3A_62, %and3A_63, %dma_start3A_74] : memref<125000x8x64xf32, #tpu.memory_space<hbm>> -> memref<1x1x64xf32, #tpu.memory_space<hbm>>
      %dma_start3A_76 = tpu.memref_squeeze %dma_start3A_75 : memref<1x1x64xf32, #tpu.memory_space<hbm>> -> memref<1x64xf32, #tpu.memory_space<hbm>>
      tpu.enqueue_dma source(%dma_start3A_76 : memref<1x64xf32, #tpu.memory_space<hbm>>) target(%dma_start3A_73 : memref<1x64xf32, #tpu.memory_space<vmem>>) target_semaphore(%arg12 : memref<!tpu.dma_semaphore, #tpu.memory_space<semaphore_mem>>)
      %slice3A_77 = vector.extract_strided_slice %get3A_61 {offsets = [0], sizes = [1], strides = [1]} : vector<16xi32> to vector<1xi32>
      %squeeze3A_78 = vector.extract %slice3A_77[0] : i32 from vector<1xi32>
      %mul3A_79 = arith.constant 16 : i32
      %mul3A_80 = arith.muli %scan3A_47, %mul3A_79 : i32
      %add3A_81 = arith.constant 0 : i32
      %add3A_82 = arith.addi %mul3A_80, %add3A_81 : i32
      %dma_start3A_83 = arith.constant 0 : i32
      %dma_start3A_84 = tpu.memref_slice %arg11[%add3A_82, %dma_start3A_83] : memref<256x64xf32, #tpu.memory_space<vmem>> -> memref<1x64xf32, #tpu.memory_space<vmem>>
      %dma_start3A_85 = arith.constant 0 : i32
      %dma_start3A_86 = tpu.memref_slice %arg5[%squeeze3A_78, %dma_start3A_85] : memref<100000x64xf32, #tpu.memory_space<hbm>> -> memref<1x64xf32, #tpu.memory_space<hbm>>
      %dma_start3A_87 = arith.constant 0 : i32
      %dma_start3A_88 = tpu.memref_slice %arg11[%add3A_82, %dma_start3A_87] : memref<256x64xf32, #tpu.memory_space<vmem>> -> memref<1x64xf32, #tpu.memory_space<vmem>>
      %dma_start3A_89 = arith.constant 0 : i32
      %dma_start3A_90 = tpu.memref_slice %arg5[%squeeze3A_78, %dma_start3A_89] : memref<100000x64xf32, #tpu.memory_space<hbm>> -> memref<1x64xf32, #tpu.memory_space<hbm>>
      tpu.enqueue_dma source(%dma_start3A_90 : memref<1x64xf32, #tpu.memory_space<hbm>>) target(%dma_start3A_88 : memref<1x64xf32, #tpu.memory_space<vmem>>) target_semaphore(%arg13 : memref<!tpu.dma_semaphore, #tpu.memory_space<semaphore_mem>>)
      %slice3A_91 = vector.extract_strided_slice %get3A_54 {offsets = [1], sizes = [1], strides = [1]} : vector<16xi32> to vector<1xi32>
      %squeeze3A_92 = vector.extract %slice3A_91[0] : i32 from vector<1xi32>
      %shift_right_arithmetic3A_93 = arith.constant 3 : i32
      %shift_right_arithmetic3A_94 = arith.shrsi %squeeze3A_92, %shift_right_arithmetic3A_93 : i32
      %and3A_95 = arith.constant 7 : i32
      %and3A_96 = arith.andi %squeeze3A_92, %and3A_95 : i32
      %mul3A_97 = arith.constant 16 : i32
      %mul3A_98 = arith.muli %scan3A_47, %mul3A_97 : i32
      %add3A_99 = arith.constant 1 : i32
      %add3A_100 = arith.addi %mul3A_98, %add3A_99 : i32
      %dma_start3A_101 = arith.constant 0 : i32
      %dma_start3A_102 = tpu.memref_slice %arg10[%add3A_100, %dma_start3A_101] : memref<256x64xf32, #tpu.memory_space<vmem>> -> memref<1x64xf32, #tpu.memory_space<vmem>>
      %dma_start3A_103 = arith.constant 0 : i32
      %dma_start3A_104 = tpu.memref_slice %arg4[%shift_right_arithmetic3A_94, %and3A_96, %dma_start3A_103] : memref<125000x8x64xf32, #tpu.memory_space<hbm>> -> memref<1x1x64xf32, #tpu.memory_space<hbm>>
      %dma_start3A_105 = tpu.memref_squeeze %dma_start3A_104 : memref<1x1x64xf32, #tpu.memory_space<hbm>> -> memref<1x64xf32, #tpu.memory_space<hbm>>
      %dma_start3A_106 = arith.constant 0 : i32
      %dma_start3A_107 = tpu.memref_slice %arg10[%add3A_100, %dma_start3A_106] : memref<256x64xf32, #tpu.memory_space<vmem>> -> memref<1x64xf32, #tpu.memory_space<vmem>>
      %dma_start3A_108 = arith.constant 0 : i32
      %dma_start3A_109 = tpu.memref_slice %arg4[%shift_right_arithmetic3A_94, %and3A_96, %dma_start3A_108] : memref<125000x8x64xf32, #tpu.memory_space<hbm>> -> memref<1x1x64xf32, #tpu.memory_space<hbm>>
      %dma_start3A_110 = tpu.memref_squeeze %dma_start3A_109 : memref<1x1x64xf32, #tpu.memory_space<hbm>> -> memref<1x64xf32, #tpu.memory_space<hbm>>
      tpu.enqueue_dma source(%dma_start3A_110 : memref<1x64xf32, #tpu.memory_space<hbm>>) target(%dma_start3A_107 : memref<1x64xf32, #tpu.memory_space<vmem>>) target_semaphore(%arg12 : memref<!tpu.dma_semaphore, #tpu.memory_space<semaphore_mem>>)
      %slice3A_111 = vector.extract_strided_slice %get3A_61 {offsets = [1], sizes = [1], strides = [1]} : vector<16xi32> to vector<1xi32>
      %squeeze3A_112 = vector.extract %slice3A_111[0] : i32 from vector<1xi32>
      %mul3A_113 = arith.constant 16 : i32
      %mul3A_114 = arith.muli %scan3A_47, %mul3A_113 : i32
      %add3A_115 = arith.constant 1 : i32
      %add3A_116 = arith.addi %mul3A_114, %add3A_115 : i32
      %dma_start3A_117 = arith.constant 0 : i32
      %dma_start3A_118 = tpu.memref_slice %arg11[%add3A_116, %dma_start3A_117] : memref<256x64xf32, #tpu.memory_space<vmem>> -> memref<1x64xf32, #tpu.memory_space<vmem>>
      %dma_start3A_119 = arith.constant 0 : i32
      %dma_start3A_120 = tpu.memref_slice %arg5[%squeeze3A_112, %dma_start3A_119] : memref<100000x64xf32, #tpu.memory_space<hbm>> -> memref<1x64xf32, #tpu.memory_space<hbm>>
      %dma_start3A_121 = arith.constant 0 : i32
      %dma_start3A_122 = tpu.memref_slice %arg11[%add3A_116, %dma_start3A_121] : memref<256x64xf32, #tpu.memory_space<vmem>> -> memref<1x64xf32, #tpu.memory_space<vmem>>
      %dma_start3A_123 = arith.constant 0 : i32
      %dma_start3A_124 = tpu.memref_slice %arg5[%squeeze3A_112, %dma_start3A_123] : memref<100000x64xf32, #tpu.memory_space<hbm>> -> memref<1x64xf32, #tpu.memory_space<hbm>>
      tpu.enqueue_dma source(%dma_start3A_124 : memref<1x64xf32, #tpu.memory_space<hbm>>) target(%dma_start3A_122 : memref<1x64xf32, #tpu.memory_space<vmem>>) target_semaphore(%arg13 : memref<!tpu.dma_semaphore, #tpu.memory_space<semaphore_mem>>)
      %slice3A_125 = vector.extract_strided_slice %get3A_54 {offsets = [2], sizes = [1], strides = [1]} : vector<16xi32> to vector<1xi32>
      %squeeze3A_126 = vector.extract %slice3A_125[0] : i32 from vector<1xi32>
      %shift_right_arithmetic3A_127 = arith.constant 3 : i32
      %shift_right_arithmetic3A_128 = arith.shrsi %squeeze3A_126, %shift_right_arithmetic3A_127 : i32
      %and3A_129 = arith.constant 7 : i32
      %and3A_130 = arith.andi %squeeze3A_126, %and3A_129 : i32
      %mul3A_131 = arith.constant 16 : i32
      %mul3A_132 = arith.muli %scan3A_47, %mul3A_131 : i32
      %add3A_133 = arith.constant 2 : i32
      %add3A_134 = arith.addi %mul3A_132, %add3A_133 : i32
      %dma_start3A_135 = arith.constant 0 : i32
      %dma_start3A_136 = tpu.memref_slice %arg10[%add3A_134, %dma_start3A_135] : memref<256x64xf32, #tpu.memory_space<vmem>> -> memref<1x64xf32, #tpu.memory_space<vmem>>
      %dma_start3A_137 = arith.constant 0 : i32
      %dma_start3A_138 = tpu.memref_slice %arg4[%shift_right_arithmetic3A_128, %and3A_130, %dma_start3A_137] : memref<125000x8x64xf32, #tpu.memory_space<hbm>> -> memref<1x1x64xf32, #tpu.memory_space<hbm>>
      %dma_start3A_139 = tpu.memref_squeeze %dma_start3A_138 : memref<1x1x64xf32, #tpu.memory_space<hbm>> -> memref<1x64xf32, #tpu.memory_space<hbm>>
      %dma_start3A_140 = arith.constant 0 : i32
      %dma_start3A_141 = tpu.memref_slice %arg10[%add3A_134, %dma_start3A_140] : memref<256x64xf32, #tpu.memory_space<vmem>> -> memref<1x64xf32, #tpu.memory_space<vmem>>
      %dma_start3A_142 = arith.constant 0 : i32
      %dma_start3A_143 = tpu.memref_slice %arg4[%shift_right_arithmetic3A_128, %and3A_130, %dma_start3A_142] : memref<125000x8x64xf32, #tpu.memory_space<hbm>> -> memref<1x1x64xf32, #tpu.memory_space<hbm>>
      %dma_start3A_144 = tpu.memref_squeeze %dma_start3A_143 : memref<1x1x64xf32, #tpu.memory_space<hbm>> -> memref<1x64xf32, #tpu.memory_space<hbm>>
      tpu.enqueue_dma source(%dma_start3A_144 : memref<1x64xf32, #tpu.memory_space<hbm>>) target(%dma_start3A_141 : memref<1x64xf32, #tpu.memory_space<vmem>>) target_semaphore(%arg12 : memref<!tpu.dma_semaphore, #tpu.memory_space<semaphore_mem>>)
      %slice3A_145 = vector.extract_strided_slice %get3A_61 {offsets = [2], sizes = [1], strides = [1]} : vector<16xi32> to vector<1xi32>
      %squeeze3A_146 = vector.extract %slice3A_145[0] : i32 from vector<1xi32>
      %mul3A_147 = arith.constant 16 : i32
      %mul3A_148 = arith.muli %scan3A_47, %mul3A_147 : i32
      %add3A_149 = arith.constant 2 : i32
      %add3A_150 = arith.addi %mul3A_148, %add3A_149 : i32
      %dma_start3A_151 = arith.constant 0 : i32
      %dma_start3A_152 = tpu.memref_slice %arg11[%add3A_150, %dma_start3A_151] : memref<256x64xf32, #tpu.memory_space<vmem>> -> memref<1x64xf32, #tpu.memory_space<vmem>>
      %dma_start3A_153 = arith.constant 0 : i32
      %dma_start3A_154 = tpu.memref_slice %arg5[%squeeze3A_146, %dma_start3A_153] : memref<100000x64xf32, #tpu.memory_space<hbm>> -> memref<1x64xf32, #tpu.memory_space<hbm>>
      %dma_start3A_155 = arith.constant 0 : i32
      %dma_start3A_156 = tpu.memref_slice %arg11[%add3A_150, %dma_start3A_155] : memref<256x64xf32, #tpu.memory_space<vmem>> -> memref<1x64xf32, #tpu.memory_space<vmem>>
      %dma_start3A_157 = arith.constant 0 : i32
      %dma_start3A_158 = tpu.memref_slice %arg5[%squeeze3A_146, %dma_start3A_157] : memref<100000x64xf32, #tpu.memory_space<hbm>> -> memref<1x64xf32, #tpu.memory_space<hbm>>
      tpu.enqueue_dma source(%dma_start3A_158 : memref<1x64xf32, #tpu.memory_space<hbm>>) target(%dma_start3A_156 : memref<1x64xf32, #tpu.memory_space<vmem>>) target_semaphore(%arg13 : memref<!tpu.dma_semaphore, #tpu.memory_space<semaphore_mem>>)
      %slice3A_159 = vector.extract_strided_slice %get3A_54 {offsets = [3], sizes = [1], strides = [1]} : vector<16xi32> to vector<1xi32>
      %squeeze3A_160 = vector.extract %slice3A_159[0] : i32 from vector<1xi32>
      %shift_right_arithmetic3A_161 = arith.constant 3 : i32
      %shift_right_arithmetic3A_162 = arith.shrsi %squeeze3A_160, %shift_right_arithmetic3A_161 : i32
      %and3A_163 = arith.constant 7 : i32
      %and3A_164 = arith.andi %squeeze3A_160, %and3A_163 : i32
      %mul3A_165 = arith.constant 16 : i32
      %mul3A_166 = arith.muli %scan3A_47, %mul3A_165 : i32
      %add3A_167 = arith.constant 3 : i32
      %add3A_168 = arith.addi %mul3A_166, %add3A_167 : i32
      %dma_start3A_169 = arith.constant 0 : i32
      %dma_start3A_170 = tpu.memref_slice %arg10[%add3A_168, %dma_start3A_169] : memref<256x64xf32, #tpu.memory_space<vmem>> -> memref<1x64xf32, #tpu.memory_space<vmem>>
      %dma_start3A_171 = arith.constant 0 : i32
      %dma_start3A_172 = tpu.memref_slice %arg4[%shift_right_arithmetic3A_162, %and3A_164, %dma_start3A_171] : memref<125000x8x64xf32, #tpu.memory_space<hbm>> -> memref<1x1x64xf32, #tpu.memory_space<hbm>>
      %dma_start3A_173 = tpu.memref_squeeze %dma_start3A_172 : memref<1x1x64xf32, #tpu.memory_space<hbm>> -> memref<1x64xf32, #tpu.memory_space<hbm>>
      %dma_start3A_174 = arith.constant 0 : i32
      %dma_start3A_175 = tpu.memref_slice %arg10[%add3A_168, %dma_start3A_174] : memref<256x64xf32, #tpu.memory_space<vmem>> -> memref<1x64xf32, #tpu.memory_space<vmem>>
      %dma_start3A_176 = arith.constant 0 : i32
      %dma_start3A_177 = tpu.memref_slice %arg4[%shift_right_arithmetic3A_162, %and3A_164, %dma_start3A_176] : memref<125000x8x64xf32, #tpu.memory_space<hbm>> -> memref<1x1x64xf32, #tpu.memory_space<hbm>>
      %dma_start3A_178 = tpu.memref_squeeze %dma_start3A_177 : memref<1x1x64xf32, #tpu.memory_space<hbm>> -> memref<1x64xf32, #tpu.memory_space<hbm>>
      tpu.enqueue_dma source(%dma_start3A_178 : memref<1x64xf32, #tpu.memory_space<hbm>>) target(%dma_start3A_175 : memref<1x64xf32, #tpu.memory_space<vmem>>) target_semaphore(%arg12 : memref<!tpu.dma_semaphore, #tpu.memory_space<semaphore_mem>>)
      %slice3A_179 = vector.extract_strided_slice %get3A_61 {offsets = [3], sizes = [1], strides = [1]} : vector<16xi32> to vector<1xi32>
      %squeeze3A_180 = vector.extract %slice3A_179[0] : i32 from vector<1xi32>
      %mul3A_181 = arith.constant 16 : i32
      %mul3A_182 = arith.muli %scan3A_47, %mul3A_181 : i32
      %add3A_183 = arith.constant 3 : i32
      %add3A_184 = arith.addi %mul3A_182, %add3A_183 : i32
      %dma_start3A_185 = arith.constant 0 : i32
      %dma_start3A_186 = tpu.memref_slice %arg11[%add3A_184, %dma_start3A_185] : memref<256x64xf32, #tpu.memory_space<vmem>> -> memref<1x64xf32, #tpu.memory_space<vmem>>
      %dma_start3A_187 = arith.constant 0 : i32
      %dma_start3A_188 = tpu.memref_slice %arg5[%squeeze3A_180, %dma_start3A_187] : memref<100000x64xf32, #tpu.memory_space<hbm>> -> memref<1x64xf32, #tpu.memory_space<hbm>>
      %dma_start3A_189 = arith.constant 0 : i32
      %dma_start3A_190 = tpu.memref_slice %arg11[%add3A_184, %dma_start3A_189] : memref<256x64xf32, #tpu.memory_space<vmem>> -> memref<1x64xf32, #tpu.memory_space<vmem>>
      %dma_start3A_191 = arith.constant 0 : i32
      %dma_start3A_192 = tpu.memref_slice %arg5[%squeeze3A_180, %dma_start3A_191] : memref<100000x64xf32, #tpu.memory_space<hbm>> -> memref<1x64xf32, #tpu.memory_space<hbm>>
      tpu.enqueue_dma source(%dma_start3A_192 : memref<1x64xf32, #tpu.memory_space<hbm>>) target(%dma_start3A_190 : memref<1x64xf32, #tpu.memory_space<vmem>>) target_semaphore(%arg13 : memref<!tpu.dma_semaphore, #tpu.memory_space<semaphore_mem>>)
      %slice3A_193 = vector.extract_strided_slice %get3A_54 {offsets = [4], sizes = [1], strides = [1]} : vector<16xi32> to vector<1xi32>
      %squeeze3A_194 = vector.extract %slice3A_193[0] : i32 from vector<1xi32>
      %shift_right_arithmetic3A_195 = arith.constant 3 : i32
      %shift_right_arithmetic3A_196 = arith.shrsi %squeeze3A_194, %shift_right_arithmetic3A_195 : i32
      %and3A_197 = arith.constant 7 : i32
      %and3A_198 = arith.andi %squeeze3A_194, %and3A_197 : i32
      %mul3A_199 = arith.constant 16 : i32
      %mul3A_200 = arith.muli %scan3A_47, %mul3A_199 : i32
      %add3A_201 = arith.constant 4 : i32
      %add3A_202 = arith.addi %mul3A_200, %add3A_201 : i32
      %dma_start3A_203 = arith.constant 0 : i32
      %dma_start3A_204 = tpu.memref_slice %arg10[%add3A_202, %dma_start3A_203] : memref<256x64xf32, #tpu.memory_space<vmem>> -> memref<1x64xf32, #tpu.memory_space<vmem>>
      %dma_start3A_205 = arith.constant 0 : i32
      %dma_start3A_206 = tpu.memref_slice %arg4[%shift_right_arithmetic3A_196, %and3A_198, %dma_start3A_205] : memref<125000x8x64xf32, #tpu.memory_space<hbm>> -> memref<1x1x64xf32, #tpu.memory_space<hbm>>
      %dma_start3A_207 = tpu.memref_squeeze %dma_start3A_206 : memref<1x1x64xf32, #tpu.memory_space<hbm>> -> memref<1x64xf32, #tpu.memory_space<hbm>>
      %dma_start3A_208 = arith.constant 0 : i32
      %dma_start3A_209 = tpu.memref_slice %arg10[%add3A_202, %dma_start3A_208] : memref<256x64xf32, #tpu.memory_space<vmem>> -> memref<1x64xf32, #tpu.memory_space<vmem>>
      %dma_start3A_210 = arith.constant 0 : i32
      %dma_start3A_211 = tpu.memref_slice %arg4[%shift_right_arithmetic3A_196, %and3A_198, %dma_start3A_210] : memref<125000x8x64xf32, #tpu.memory_space<hbm>> -> memref<1x1x64xf32, #tpu.memory_space<hbm>>
      %dma_start3A_212 = tpu.memref_squeeze %dma_start3A_211 : memref<1x1x64xf32, #tpu.memory_space<hbm>> -> memref<1x64xf32, #tpu.memory_space<hbm>>
      tpu.enqueue_dma source(%dma_start3A_212 : memref<1x64xf32, #tpu.memory_space<hbm>>) target(%dma_start3A_209 : memref<1x64xf32, #tpu.memory_space<vmem>>) target_semaphore(%arg12 : memref<!tpu.dma_semaphore, #tpu.memory_space<semaphore_mem>>)
      %slice3A_213 = vector.extract_strided_slice %get3A_61 {offsets = [4], sizes = [1], strides = [1]} : vector<16xi32> to vector<1xi32>
      %squeeze3A_214 = vector.extract %slice3A_213[0] : i32 from vector<1xi32>
      %mul3A_215 = arith.constant 16 : i32
      %mul3A_216 = arith.muli %scan3A_47, %mul3A_215 : i32
      %add3A_217 = arith.constant 4 : i32
      %add3A_218 = arith.addi %mul3A_216, %add3A_217 : i32
      %dma_start3A_219 = arith.constant 0 : i32
      %dma_start3A_220 = tpu.memref_slice %arg11[%add3A_218, %dma_start3A_219] : memref<256x64xf32, #tpu.memory_space<vmem>> -> memref<1x64xf32, #tpu.memory_space<vmem>>
      %dma_start3A_221 = arith.constant 0 : i32
      %dma_start3A_222 = tpu.memref_slice %arg5[%squeeze3A_214, %dma_start3A_221] : memref<100000x64xf32, #tpu.memory_space<hbm>> -> memref<1x64xf32, #tpu.memory_space<hbm>>
      %dma_start3A_223 = arith.constant 0 : i32
      %dma_start3A_224 = tpu.memref_slice %arg11[%add3A_218, %dma_start3A_223] : memref<256x64xf32, #tpu.memory_space<vmem>> -> memref<1x64xf32, #tpu.memory_space<vmem>>
      %dma_start3A_225 = arith.constant 0 : i32
      %dma_start3A_226 = tpu.memref_slice %arg5[%squeeze3A_214, %dma_start3A_225] : memref<100000x64xf32, #tpu.memory_space<hbm>> -> memref<1x64xf32, #tpu.memory_space<hbm>>
      tpu.enqueue_dma source(%dma_start3A_226 : memref<1x64xf32, #tpu.memory_space<hbm>>) target(%dma_start3A_224 : memref<1x64xf32, #tpu.memory_space<vmem>>) target_semaphore(%arg13 : memref<!tpu.dma_semaphore, #tpu.memory_space<semaphore_mem>>)
      %slice3A_227 = vector.extract_strided_slice %get3A_54 {offsets = [5], sizes = [1], strides = [1]} : vector<16xi32> to vector<1xi32>
      %squeeze3A_228 = vector.extract %slice3A_227[0] : i32 from vector<1xi32>
      %shift_right_arithmetic3A_229 = arith.constant 3 : i32
      %shift_right_arithmetic3A_230 = arith.shrsi %squeeze3A_228, %shift_right_arithmetic3A_229 : i32
      %and3A_231 = arith.constant 7 : i32
      %and3A_232 = arith.andi %squeeze3A_228, %and3A_231 : i32
      %mul3A_233 = arith.constant 16 : i32
      %mul3A_234 = arith.muli %scan3A_47, %mul3A_233 : i32
      %add3A_235 = arith.constant 5 : i32
      %add3A_236 = arith.addi %mul3A_234, %add3A_235 : i32
      %dma_start3A_237 = arith.constant 0 : i32
      %dma_start3A_238 = tpu.memref_slice %arg10[%add3A_236, %dma_start3A_237] : memref<256x64xf32, #tpu.memory_space<vmem>> -> memref<1x64xf32, #tpu.memory_space<vmem>>
      %dma_start3A_239 = arith.constant 0 : i32
      %dma_start3A_240 = tpu.memref_slice %arg4[%shift_right_arithmetic3A_230, %and3A_232, %dma_start3A_239] : memref<125000x8x64xf32, #tpu.memory_space<hbm>> -> memref<1x1x64xf32, #tpu.memory_space<hbm>>
      %dma_start3A_241 = tpu.memref_squeeze %dma_start3A_240 : memref<1x1x64xf32, #tpu.memory_space<hbm>> -> memref<1x64xf32, #tpu.memory_space<hbm>>
      %dma_start3A_242 = arith.constant 0 : i32
      %dma_start3A_243 = tpu.memref_slice %arg10[%add3A_236, %dma_start3A_242] : memref<256x64xf32, #tpu.memory_space<vmem>> -> memref<1x64xf32, #tpu.memory_space<vmem>>
      %dma_start3A_244 = arith.constant 0 : i32
      %dma_start3A_245 = tpu.memref_slice %arg4[%shift_right_arithmetic3A_230, %and3A_232, %dma_start3A_244] : memref<125000x8x64xf32, #tpu.memory_space<hbm>> -> memref<1x1x64xf32, #tpu.memory_space<hbm>>
      %dma_start3A_246 = tpu.memref_squeeze %dma_start3A_245 : memref<1x1x64xf32, #tpu.memory_space<hbm>> -> memref<1x64xf32, #tpu.memory_space<hbm>>
      tpu.enqueue_dma source(%dma_start3A_246 : memref<1x64xf32, #tpu.memory_space<hbm>>) target(%dma_start3A_243 : memref<1x64xf32, #tpu.memory_space<vmem>>) target_semaphore(%arg12 : memref<!tpu.dma_semaphore, #tpu.memory_space<semaphore_mem>>)
      %slice3A_247 = vector.extract_strided_slice %get3A_61 {offsets = [5], sizes = [1], strides = [1]} : vector<16xi32> to vector<1xi32>
      %squeeze3A_248 = vector.extract %slice3A_247[0] : i32 from vector<1xi32>
      %mul3A_249 = arith.constant 16 : i32
      %mul3A_250 = arith.muli %scan3A_47, %mul3A_249 : i32
      %add3A_251 = arith.constant 5 : i32
      %add3A_252 = arith.addi %mul3A_250, %add3A_251 : i32
      %dma_start3A_253 = arith.constant 0 : i32
      %dma_start3A_254 = tpu.memref_slice %arg11[%add3A_252, %dma_start3A_253] : memref<256x64xf32, #tpu.memory_space<vmem>> -> memref<1x64xf32, #tpu.memory_space<vmem>>
      %dma_start3A_255 = arith.constant 0 : i32
      %dma_start3A_256 = tpu.memref_slice %arg5[%squeeze3A_248, %dma_start3A_255] : memref<100000x64xf32, #tpu.memory_space<hbm>> -> memref<1x64xf32, #tpu.memory_space<hbm>>
      %dma_start3A_257 = arith.constant 0 : i32
      %dma_start3A_258 = tpu.memref_slice %arg11[%add3A_252, %dma_start3A_257] : memref<256x64xf32, #tpu.memory_space<vmem>> -> memref<1x64xf32, #tpu.memory_space<vmem>>
      %dma_start3A_259 = arith.constant 0 : i32
      %dma_start3A_260 = tpu.memref_slice %arg5[%squeeze3A_248, %dma_start3A_259] : memref<100000x64xf32, #tpu.memory_space<hbm>> -> memref<1x64xf32, #tpu.memory_space<hbm>>
      tpu.enqueue_dma source(%dma_start3A_260 : memref<1x64xf32, #tpu.memory_space<hbm>>) target(%dma_start3A_258 : memref<1x64xf32, #tpu.memory_space<vmem>>) target_semaphore(%arg13 : memref<!tpu.dma_semaphore, #tpu.memory_space<semaphore_mem>>)
      %slice3A_261 = vector.extract_strided_slice %get3A_54 {offsets = [6], sizes = [1], strides = [1]} : vector<16xi32> to vector<1xi32>
      %squeeze3A_262 = vector.extract %slice3A_261[0] : i32 from vector<1xi32>
      %shift_right_arithmetic3A_263 = arith.constant 3 : i32
      %shift_right_arithmetic3A_264 = arith.shrsi %squeeze3A_262, %shift_right_arithmetic3A_263 : i32
      %and3A_265 = arith.constant 7 : i32
      %and3A_266 = arith.andi %squeeze3A_262, %and3A_265 : i32
      %mul3A_267 = arith.constant 16 : i32
      %mul3A_268 = arith.muli %scan3A_47, %mul3A_267 : i32
      %add3A_269 = arith.constant 6 : i32
      %add3A_270 = arith.addi %mul3A_268, %add3A_269 : i32
      %dma_start3A_271 = arith.constant 0 : i32
      %dma_start3A_272 = tpu.memref_slice %arg10[%add3A_270, %dma_start3A_271] : memref<256x64xf32, #tpu.memory_space<vmem>> -> memref<1x64xf32, #tpu.memory_space<vmem>>
      %dma_start3A_273 = arith.constant 0 : i32
      %dma_start3A_274 = tpu.memref_slice %arg4[%shift_right_arithmetic3A_264, %and3A_266, %dma_start3A_273] : memref<125000x8x64xf32, #tpu.memory_space<hbm>> -> memref<1x1x64xf32, #tpu.memory_space<hbm>>
      %dma_start3A_275 = tpu.memref_squeeze %dma_start3A_274 : memref<1x1x64xf32, #tpu.memory_space<hbm>> -> memref<1x64xf32, #tpu.memory_space<hbm>>
      %dma_start3A_276 = arith.constant 0 : i32
      %dma_start3A_277 = tpu.memref_slice %arg10[%add3A_270, %dma_start3A_276] : memref<256x64xf32, #tpu.memory_space<vmem>> -> memref<1x64xf32, #tpu.memory_space<vmem>>
      %dma_start3A_278 = arith.constant 0 : i32
      %dma_start3A_279 = tpu.memref_slice %arg4[%shift_right_arithmetic3A_264, %and3A_266, %dma_start3A_278] : memref<125000x8x64xf32, #tpu.memory_space<hbm>> -> memref<1x1x64xf32, #tpu.memory_space<hbm>>
      %dma_start3A_280 = tpu.memref_squeeze %dma_start3A_279 : memref<1x1x64xf32, #tpu.memory_space<hbm>> -> memref<1x64xf32, #tpu.memory_space<hbm>>
      tpu.enqueue_dma source(%dma_start3A_280 : memref<1x64xf32, #tpu.memory_space<hbm>>) target(%dma_start3A_277 : memref<1x64xf32, #tpu.memory_space<vmem>>) target_semaphore(%arg12 : memref<!tpu.dma_semaphore, #tpu.memory_space<semaphore_mem>>)
      %slice3A_281 = vector.extract_strided_slice %get3A_61 {offsets = [6], sizes = [1], strides = [1]} : vector<16xi32> to vector<1xi32>
      %squeeze3A_282 = vector.extract %slice3A_281[0] : i32 from vector<1xi32>
      %mul3A_283 = arith.constant 16 : i32
      %mul3A_284 = arith.muli %scan3A_47, %mul3A_283 : i32
      %add3A_285 = arith.constant 6 : i32
      %add3A_286 = arith.addi %mul3A_284, %add3A_285 : i32
      %dma_start3A_287 = arith.constant 0 : i32
      %dma_start3A_288 = tpu.memref_slice %arg11[%add3A_286, %dma_start3A_287] : memref<256x64xf32, #tpu.memory_space<vmem>> -> memref<1x64xf32, #tpu.memory_space<vmem>>
      %dma_start3A_289 = arith.constant 0 : i32
      %dma_start3A_290 = tpu.memref_slice %arg5[%squeeze3A_282, %dma_start3A_289] : memref<100000x64xf32, #tpu.memory_space<hbm>> -> memref<1x64xf32, #tpu.memory_space<hbm>>
      %dma_start3A_291 = arith.constant 0 : i32
      %dma_start3A_292 = tpu.memref_slice %arg11[%add3A_286, %dma_start3A_291] : memref<256x64xf32, #tpu.memory_space<vmem>> -> memref<1x64xf32, #tpu.memory_space<vmem>>
      %dma_start3A_293 = arith.constant 0 : i32
      %dma_start3A_294 = tpu.memref_slice %arg5[%squeeze3A_282, %dma_start3A_293] : memref<100000x64xf32, #tpu.memory_space<hbm>> -> memref<1x64xf32, #tpu.memory_space<hbm>>
      tpu.enqueue_dma source(%dma_start3A_294 : memref<1x64xf32, #tpu.memory_space<hbm>>) target(%dma_start3A_292 : memref<1x64xf32, #tpu.memory_space<vmem>>) target_semaphore(%arg13 : memref<!tpu.dma_semaphore, #tpu.memory_space<semaphore_mem>>)
      %slice3A_295 = vector.extract_strided_slice %get3A_54 {offsets = [7], sizes = [1], strides = [1]} : vector<16xi32> to vector<1xi32>
      %squeeze3A_296 = vector.extract %slice3A_295[0] : i32 from vector<1xi32>
      %shift_right_arithmetic3A_297 = arith.constant 3 : i32
      %shift_right_arithmetic3A_298 = arith.shrsi %squeeze3A_296, %shift_right_arithmetic3A_297 : i32
      %and3A_299 = arith.constant 7 : i32
      %and3A_300 = arith.andi %squeeze3A_296, %and3A_299 : i32
      %mul3A_301 = arith.constant 16 : i32
      %mul3A_302 = arith.muli %scan3A_47, %mul3A_301 : i32
      %add3A_303 = arith.constant 7 : i32
      %add3A_304 = arith.addi %mul3A_302, %add3A_303 : i32
      %dma_start3A_305 = arith.constant 0 : i32
      %dma_start3A_306 = tpu.memref_slice %arg10[%add3A_304, %dma_start3A_305] : memref<256x64xf32, #tpu.memory_space<vmem>> -> memref<1x64xf32, #tpu.memory_space<vmem>>
      %dma_start3A_307 = arith.constant 0 : i32
      %dma_start3A_308 = tpu.memref_slice %arg4[%shift_right_arithmetic3A_298, %and3A_300, %dma_start3A_307] : memref<125000x8x64xf32, #tpu.memory_space<hbm>> -> memref<1x1x64xf32, #tpu.memory_space<hbm>>
      %dma_start3A_309 = tpu.memref_squeeze %dma_start3A_308 : memref<1x1x64xf32, #tpu.memory_space<hbm>> -> memref<1x64xf32, #tpu.memory_space<hbm>>
      %dma_start3A_310 = arith.constant 0 : i32
      %dma_start3A_311 = tpu.memref_slice %arg10[%add3A_304, %dma_start3A_310] : memref<256x64xf32, #tpu.memory_space<vmem>> -> memref<1x64xf32, #tpu.memory_space<vmem>>
      %dma_start3A_312 = arith.constant 0 : i32
      %dma_start3A_313 = tpu.memref_slice %arg4[%shift_right_arithmetic3A_298, %and3A_300, %dma_start3A_312] : memref<125000x8x64xf32, #tpu.memory_space<hbm>> -> memref<1x1x64xf32, #tpu.memory_space<hbm>>
      %dma_start3A_314 = tpu.memref_squeeze %dma_start3A_313 : memref<1x1x64xf32, #tpu.memory_space<hbm>> -> memref<1x64xf32, #tpu.memory_space<hbm>>
      tpu.enqueue_dma source(%dma_start3A_314 : memref<1x64xf32, #tpu.memory_space<hbm>>) target(%dma_start3A_311 : memref<1x64xf32, #tpu.memory_space<vmem>>) target_semaphore(%arg12 : memref<!tpu.dma_semaphore, #tpu.memory_space<semaphore_mem>>)
      %slice3A_315 = vector.extract_strided_slice %get3A_61 {offsets = [7], sizes = [1], strides = [1]} : vector<16xi32> to vector<1xi32>
      %squeeze3A_316 = vector.extract %slice3A_315[0] : i32 from vector<1xi32>
      %mul3A_317 = arith.constant 16 : i32
      %mul3A_318 = arith.muli %scan3A_47, %mul3A_317 : i32
      %add3A_319 = arith.constant 7 : i32
      %add3A_320 = arith.addi %mul3A_318, %add3A_319 : i32
      %dma_start3A_321 = arith.constant 0 : i32
      %dma_start3A_322 = tpu.memref_slice %arg11[%add3A_320, %dma_start3A_321] : memref<256x64xf32, #tpu.memory_space<vmem>> -> memref<1x64xf32, #tpu.memory_space<vmem>>
      %dma_start3A_323 = arith.constant 0 : i32
      %dma_start3A_324 = tpu.memref_slice %arg5[%squeeze3A_316, %dma_start3A_323] : memref<100000x64xf32, #tpu.memory_space<hbm>> -> memref<1x64xf32, #tpu.memory_space<hbm>>
      %dma_start3A_325 = arith.constant 0 : i32
      %dma_start3A_326 = tpu.memref_slice %arg11[%add3A_320, %dma_start3A_325] : memref<256x64xf32, #tpu.memory_space<vmem>> -> memref<1x64xf32, #tpu.memory_space<vmem>>
      %dma_start3A_327 = arith.constant 0 : i32
      %dma_start3A_328 = tpu.memref_slice %arg5[%squeeze3A_316, %dma_start3A_327] : memref<100000x64xf32, #tpu.memory_space<hbm>> -> memref<1x64xf32, #tpu.memory_space<hbm>>
      tpu.enqueue_dma source(%dma_start3A_328 : memref<1x64xf32, #tpu.memory_space<hbm>>) target(%dma_start3A_326 : memref<1x64xf32, #tpu.memory_space<vmem>>) target_semaphore(%arg13 : memref<!tpu.dma_semaphore, #tpu.memory_space<semaphore_mem>>)
      %slice3A_329 = vector.extract_strided_slice %get3A_54 {offsets = [8], sizes = [1], strides = [1]} : vector<16xi32> to vector<1xi32>
      %squeeze3A_330 = vector.extract %slice3A_329[0] : i32 from vector<1xi32>
      %shift_right_arithmetic3A_331 = arith.constant 3 : i32
      %shift_right_arithmetic3A_332 = arith.shrsi %squeeze3A_330, %shift_right_arithmetic3A_331 : i32
      %and3A_333 = arith.constant 7 : i32
      %and3A_334 = arith.andi %squeeze3A_330, %and3A_333 : i32
      %mul3A_335 = arith.constant 16 : i32
      %mul3A_336 = arith.muli %scan3A_47, %mul3A_335 : i32
      %add3A_337 = arith.constant 8 : i32
      %add3A_338 = arith.addi %mul3A_336, %add3A_337 : i32
      %dma_start3A_339 = arith.constant 0 : i32
      %dma_start3A_340 = tpu.memref_slice %arg10[%add3A_338, %dma_start3A_339] : memref<256x64xf32, #tpu.memory_space<vmem>> -> memref<1x64xf32, #tpu.memory_space<vmem>>
      %dma_start3A_341 = arith.constant 0 : i32
      %dma_start3A_342 = tpu.memref_slice %arg4[%shift_right_arithmetic3A_332, %and3A_334, %dma_start3A_341] : memref<125000x8x64xf32, #tpu.memory_space<hbm>> -> memref<1x1x64xf32, #tpu.memory_space<hbm>>
      %dma_start3A_343 = tpu.memref_squeeze %dma_start3A_342 : memref<1x1x64xf32, #tpu.memory_space<hbm>> -> memref<1x64xf32, #tpu.memory_space<hbm>>
      %dma_start3A_344 = arith.constant 0 : i32
      %dma_start3A_345 = tpu.memref_slice %arg10[%add3A_338, %dma_start3A_344] : memref<256x64xf32, #tpu.memory_space<vmem>> -> memref<1x64xf32, #tpu.memory_space<vmem>>
      %dma_start3A_346 = arith.constant 0 : i32
      %dma_start3A_347 = tpu.memref_slice %arg4[%shift_right_arithmetic3A_332, %and3A_334, %dma_start3A_346] : memref<125000x8x64xf32, #tpu.memory_space<hbm>> -> memref<1x1x64xf32, #tpu.memory_space<hbm>>
      %dma_start3A_348 = tpu.memref_squeeze %dma_start3A_347 : memref<1x1x64xf32, #tpu.memory_space<hbm>> -> memref<1x64xf32, #tpu.memory_space<hbm>>
      tpu.enqueue_dma source(%dma_start3A_348 : memref<1x64xf32, #tpu.memory_space<hbm>>) target(%dma_start3A_345 : memref<1x64xf32, #tpu.memory_space<vmem>>) target_semaphore(%arg12 : memref<!tpu.dma_semaphore, #tpu.memory_space<semaphore_mem>>)
      %slice3A_349 = vector.extract_strided_slice %get3A_61 {offsets = [8], sizes = [1], strides = [1]} : vector<16xi32> to vector<1xi32>
      %squeeze3A_350 = vector.extract %slice3A_349[0] : i32 from vector<1xi32>
      %mul3A_351 = arith.constant 16 : i32
      %mul3A_352 = arith.muli %scan3A_47, %mul3A_351 : i32
      %add3A_353 = arith.constant 8 : i32
      %add3A_354 = arith.addi %mul3A_352, %add3A_353 : i32
      %dma_start3A_355 = arith.constant 0 : i32
      %dma_start3A_356 = tpu.memref_slice %arg11[%add3A_354, %dma_start3A_355] : memref<256x64xf32, #tpu.memory_space<vmem>> -> memref<1x64xf32, #tpu.memory_space<vmem>>
      %dma_start3A_357 = arith.constant 0 : i32
      %dma_start3A_358 = tpu.memref_slice %arg5[%squeeze3A_350, %dma_start3A_357] : memref<100000x64xf32, #tpu.memory_space<hbm>> -> memref<1x64xf32, #tpu.memory_space<hbm>>
      %dma_start3A_359 = arith.constant 0 : i32
      %dma_start3A_360 = tpu.memref_slice %arg11[%add3A_354, %dma_start3A_359] : memref<256x64xf32, #tpu.memory_space<vmem>> -> memref<1x64xf32, #tpu.memory_space<vmem>>
      %dma_start3A_361 = arith.constant 0 : i32
      %dma_start3A_362 = tpu.memref_slice %arg5[%squeeze3A_350, %dma_start3A_361] : memref<100000x64xf32, #tpu.memory_space<hbm>> -> memref<1x64xf32, #tpu.memory_space<hbm>>
      tpu.enqueue_dma source(%dma_start3A_362 : memref<1x64xf32, #tpu.memory_space<hbm>>) target(%dma_start3A_360 : memref<1x64xf32, #tpu.memory_space<vmem>>) target_semaphore(%arg13 : memref<!tpu.dma_semaphore, #tpu.memory_space<semaphore_mem>>)
      %slice3A_363 = vector.extract_strided_slice %get3A_54 {offsets = [9], sizes = [1], strides = [1]} : vector<16xi32> to vector<1xi32>
      %squeeze3A_364 = vector.extract %slice3A_363[0] : i32 from vector<1xi32>
      %shift_right_arithmetic3A_365 = arith.constant 3 : i32
      %shift_right_arithmetic3A_366 = arith.shrsi %squeeze3A_364, %shift_right_arithmetic3A_365 : i32
      %and3A_367 = arith.constant 7 : i32
      %and3A_368 = arith.andi %squeeze3A_364, %and3A_367 : i32
      %mul3A_369 = arith.constant 16 : i32
      %mul3A_370 = arith.muli %scan3A_47, %mul3A_369 : i32
      %add3A_371 = arith.constant 9 : i32
      %add3A_372 = arith.addi %mul3A_370, %add3A_371 : i32
      %dma_start3A_373 = arith.constant 0 : i32
      %dma_start3A_374 = tpu.memref_slice %arg10[%add3A_372, %dma_start3A_373] : memref<256x64xf32, #tpu.memory_space<vmem>> -> memref<1x64xf32, #tpu.memory_space<vmem>>
      %dma_start3A_375 = arith.constant 0 : i32
      %dma_start3A_376 = tpu.memref_slice %arg4[%shift_right_arithmetic3A_366, %and3A_368, %dma_start3A_375] : memref<125000x8x64xf32, #tpu.memory_space<hbm>> -> memref<1x1x64xf32, #tpu.memory_space<hbm>>
      %dma_start3A_377 = tpu.memref_squeeze %dma_start3A_376 : memref<1x1x64xf32, #tpu.memory_space<hbm>> -> memref<1x64xf32, #tpu.memory_space<hbm>>
      %dma_start3A_378 = arith.constant 0 : i32
      %dma_start3A_379 = tpu.memref_slice %arg10[%add3A_372, %dma_start3A_378] : memref<256x64xf32, #tpu.memory_space<vmem>> -> memref<1x64xf32, #tpu.memory_space<vmem>>
      %dma_start3A_380 = arith.constant 0 : i32
      %dma_start3A_381 = tpu.memref_slice %arg4[%shift_right_arithmetic3A_366, %and3A_368, %dma_start3A_380] : memref<125000x8x64xf32, #tpu.memory_space<hbm>> -> memref<1x1x64xf32, #tpu.memory_space<hbm>>
      %dma_start3A_382 = tpu.memref_squeeze %dma_start3A_381 : memref<1x1x64xf32, #tpu.memory_space<hbm>> -> memref<1x64xf32, #tpu.memory_space<hbm>>
      tpu.enqueue_dma source(%dma_start3A_382 : memref<1x64xf32, #tpu.memory_space<hbm>>) target(%dma_start3A_379 : memref<1x64xf32, #tpu.memory_space<vmem>>) target_semaphore(%arg12 : memref<!tpu.dma_semaphore, #tpu.memory_space<semaphore_mem>>)
      %slice3A_383 = vector.extract_strided_slice %get3A_61 {offsets = [9], sizes = [1], strides = [1]} : vector<16xi32> to vector<1xi32>
      %squeeze3A_384 = vector.extract %slice3A_383[0] : i32 from vector<1xi32>
      %mul3A_385 = arith.constant 16 : i32
      %mul3A_386 = arith.muli %scan3A_47, %mul3A_385 : i32
      %add3A_387 = arith.constant 9 : i32
      %add3A_388 = arith.addi %mul3A_386, %add3A_387 : i32
      %dma_start3A_389 = arith.constant 0 : i32
      %dma_start3A_390 = tpu.memref_slice %arg11[%add3A_388, %dma_start3A_389] : memref<256x64xf32, #tpu.memory_space<vmem>> -> memref<1x64xf32, #tpu.memory_space<vmem>>
      %dma_start3A_391 = arith.constant 0 : i32
      %dma_start3A_392 = tpu.memref_slice %arg5[%squeeze3A_384, %dma_start3A_391] : memref<100000x64xf32, #tpu.memory_space<hbm>> -> memref<1x64xf32, #tpu.memory_space<hbm>>
      %dma_start3A_393 = arith.constant 0 : i32
      %dma_start3A_394 = tpu.memref_slice %arg11[%add3A_388, %dma_start3A_393] : memref<256x64xf32, #tpu.memory_space<vmem>> -> memref<1x64xf32, #tpu.memory_space<vmem>>
      %dma_start3A_395 = arith.constant 0 : i32
      %dma_start3A_396 = tpu.memref_slice %arg5[%squeeze3A_384, %dma_start3A_395] : memref<100000x64xf32, #tpu.memory_space<hbm>> -> memref<1x64xf32, #tpu.memory_space<hbm>>
      tpu.enqueue_dma source(%dma_start3A_396 : memref<1x64xf32, #tpu.memory_space<hbm>>) target(%dma_start3A_394 : memref<1x64xf32, #tpu.memory_space<vmem>>) target_semaphore(%arg13 : memref<!tpu.dma_semaphore, #tpu.memory_space<semaphore_mem>>)
      %slice3A_397 = vector.extract_strided_slice %get3A_54 {offsets = [10], sizes = [1], strides = [1]} : vector<16xi32> to vector<1xi32>
      %squeeze3A_398 = vector.extract %slice3A_397[0] : i32 from vector<1xi32>
      %shift_right_arithmetic3A_399 = arith.constant 3 : i32
      %shift_right_arithmetic3A_400 = arith.shrsi %squeeze3A_398, %shift_right_arithmetic3A_399 : i32
      %and3A_401 = arith.constant 7 : i32
      %and3A_402 = arith.andi %squeeze3A_398, %and3A_401 : i32
      %mul3A_403 = arith.constant 16 : i32
      %mul3A_404 = arith.muli %scan3A_47, %mul3A_403 : i32
      %add3A_405 = arith.constant 10 : i32
      %add3A_406 = arith.addi %mul3A_404, %add3A_405 : i32
      %dma_start3A_407 = arith.constant 0 : i32
      %dma_start3A_408 = tpu.memref_slice %arg10[%add3A_406, %dma_start3A_407] : memref<256x64xf32, #tpu.memory_space<vmem>> -> memref<1x64xf32, #tpu.memory_space<vmem>>
      %dma_start3A_409 = arith.constant 0 : i32
      %dma_start3A_410 = tpu.memref_slice %arg4[%shift_right_arithmetic3A_400, %and3A_402, %dma_start3A_409] : memref<125000x8x64xf32, #tpu.memory_space<hbm>> -> memref<1x1x64xf32, #tpu.memory_space<hbm>>
      %dma_start3A_411 = tpu.memref_squeeze %dma_start3A_410 : memref<1x1x64xf32, #tpu.memory_space<hbm>> -> memref<1x64xf32, #tpu.memory_space<hbm>>
      %dma_start3A_412 = arith.constant 0 : i32
      %dma_start3A_413 = tpu.memref_slice %arg10[%add3A_406, %dma_start3A_412] : memref<256x64xf32, #tpu.memory_space<vmem>> -> memref<1x64xf32, #tpu.memory_space<vmem>>
      %dma_start3A_414 = arith.constant 0 : i32
      %dma_start3A_415 = tpu.memref_slice %arg4[%shift_right_arithmetic3A_400, %and3A_402, %dma_start3A_414] : memref<125000x8x64xf32, #tpu.memory_space<hbm>> -> memref<1x1x64xf32, #tpu.memory_space<hbm>>
      %dma_start3A_416 = tpu.memref_squeeze %dma_start3A_415 : memref<1x1x64xf32, #tpu.memory_space<hbm>> -> memref<1x64xf32, #tpu.memory_space<hbm>>
      tpu.enqueue_dma source(%dma_start3A_416 : memref<1x64xf32, #tpu.memory_space<hbm>>) target(%dma_start3A_413 : memref<1x64xf32, #tpu.memory_space<vmem>>) target_semaphore(%arg12 : memref<!tpu.dma_semaphore, #tpu.memory_space<semaphore_mem>>)
      %slice3A_417 = vector.extract_strided_slice %get3A_61 {offsets = [10], sizes = [1], strides = [1]} : vector<16xi32> to vector<1xi32>
      %squeeze3A_418 = vector.extract %slice3A_417[0] : i32 from vector<1xi32>
      %mul3A_419 = arith.constant 16 : i32
      %mul3A_420 = arith.muli %scan3A_47, %mul3A_419 : i32
      %add3A_421 = arith.constant 10 : i32
      %add3A_422 = arith.addi %mul3A_420, %add3A_421 : i32
      %dma_start3A_423 = arith.constant 0 : i32
      %dma_start3A_424 = tpu.memref_slice %arg11[%add3A_422, %dma_start3A_423] : memref<256x64xf32, #tpu.memory_space<vmem>> -> memref<1x64xf32, #tpu.memory_space<vmem>>
      %dma_start3A_425 = arith.constant 0 : i32
      %dma_start3A_426 = tpu.memref_slice %arg5[%squeeze3A_418, %dma_start3A_425] : memref<100000x64xf32, #tpu.memory_space<hbm>> -> memref<1x64xf32, #tpu.memory_space<hbm>>
      %dma_start3A_427 = arith.constant 0 : i32
      %dma_start3A_428 = tpu.memref_slice %arg11[%add3A_422, %dma_start3A_427] : memref<256x64xf32, #tpu.memory_space<vmem>> -> memref<1x64xf32, #tpu.memory_space<vmem>>
      %dma_start3A_429 = arith.constant 0 : i32
      %dma_start3A_430 = tpu.memref_slice %arg5[%squeeze3A_418, %dma_start3A_429] : memref<100000x64xf32, #tpu.memory_space<hbm>> -> memref<1x64xf32, #tpu.memory_space<hbm>>
      tpu.enqueue_dma source(%dma_start3A_430 : memref<1x64xf32, #tpu.memory_space<hbm>>) target(%dma_start3A_428 : memref<1x64xf32, #tpu.memory_space<vmem>>) target_semaphore(%arg13 : memref<!tpu.dma_semaphore, #tpu.memory_space<semaphore_mem>>)
      %slice3A_431 = vector.extract_strided_slice %get3A_54 {offsets = [11], sizes = [1], strides = [1]} : vector<16xi32> to vector<1xi32>
      %squeeze3A_432 = vector.extract %slice3A_431[0] : i32 from vector<1xi32>
      %shift_right_arithmetic3A_433 = arith.constant 3 : i32
      %shift_right_arithmetic3A_434 = arith.shrsi %squeeze3A_432, %shift_right_arithmetic3A_433 : i32
      %and3A_435 = arith.constant 7 : i32
      %and3A_436 = arith.andi %squeeze3A_432, %and3A_435 : i32
      %mul3A_437 = arith.constant 16 : i32
      %mul3A_438 = arith.muli %scan3A_47, %mul3A_437 : i32
      %add3A_439 = arith.constant 11 : i32
      %add3A_440 = arith.addi %mul3A_438, %add3A_439 : i32
      %dma_start3A_441 = arith.constant 0 : i32
      %dma_start3A_442 = tpu.memref_slice %arg10[%add3A_440, %dma_start3A_441] : memref<256x64xf32, #tpu.memory_space<vmem>> -> memref<1x64xf32, #tpu.memory_space<vmem>>
      %dma_start3A_443 = arith.constant 0 : i32
      %dma_start3A_444 = tpu.memref_slice %arg4[%shift_right_arithmetic3A_434, %and3A_436, %dma_start3A_443] : memref<125000x8x64xf32, #tpu.memory_space<hbm>> -> memref<1x1x64xf32, #tpu.memory_space<hbm>>
      %dma_start3A_445 = tpu.memref_squeeze %dma_start3A_444 : memref<1x1x64xf32, #tpu.memory_space<hbm>> -> memref<1x64xf32, #tpu.memory_space<hbm>>
      %dma_start3A_446 = arith.constant 0 : i32
      %dma_start3A_447 = tpu.memref_slice %arg10[%add3A_440, %dma_start3A_446] : memref<256x64xf32, #tpu.memory_space<vmem>> -> memref<1x64xf32, #tpu.memory_space<vmem>>
      %dma_start3A_448 = arith.constant 0 : i32
      %dma_start3A_449 = tpu.memref_slice %arg4[%shift_right_arithmetic3A_434, %and3A_436, %dma_start3A_448] : memref<125000x8x64xf32, #tpu.memory_space<hbm>> -> memref<1x1x64xf32, #tpu.memory_space<hbm>>
      %dma_start3A_450 = tpu.memref_squeeze %dma_start3A_449 : memref<1x1x64xf32, #tpu.memory_space<hbm>> -> memref<1x64xf32, #tpu.memory_space<hbm>>
      tpu.enqueue_dma source(%dma_start3A_450 : memref<1x64xf32, #tpu.memory_space<hbm>>) target(%dma_start3A_447 : memref<1x64xf32, #tpu.memory_space<vmem>>) target_semaphore(%arg12 : memref<!tpu.dma_semaphore, #tpu.memory_space<semaphore_mem>>)
      %slice3A_451 = vector.extract_strided_slice %get3A_61 {offsets = [11], sizes = [1], strides = [1]} : vector<16xi32> to vector<1xi32>
      %squeeze3A_452 = vector.extract %slice3A_451[0] : i32 from vector<1xi32>
      %mul3A_453 = arith.constant 16 : i32
      %mul3A_454 = arith.muli %scan3A_47, %mul3A_453 : i32
      %add3A_455 = arith.constant 11 : i32
      %add3A_456 = arith.addi %mul3A_454, %add3A_455 : i32
      %dma_start3A_457 = arith.constant 0 : i32
      %dma_start3A_458 = tpu.memref_slice %arg11[%add3A_456, %dma_start3A_457] : memref<256x64xf32, #tpu.memory_space<vmem>> -> memref<1x64xf32, #tpu.memory_space<vmem>>
      %dma_start3A_459 = arith.constant 0 : i32
      %dma_start3A_460 = tpu.memref_slice %arg5[%squeeze3A_452, %dma_start3A_459] : memref<100000x64xf32, #tpu.memory_space<hbm>> -> memref<1x64xf32, #tpu.memory_space<hbm>>
      %dma_start3A_461 = arith.constant 0 : i32
      %dma_start3A_462 = tpu.memref_slice %arg11[%add3A_456, %dma_start3A_461] : memref<256x64xf32, #tpu.memory_space<vmem>> -> memref<1x64xf32, #tpu.memory_space<vmem>>
      %dma_start3A_463 = arith.constant 0 : i32
      %dma_start3A_464 = tpu.memref_slice %arg5[%squeeze3A_452, %dma_start3A_463] : memref<100000x64xf32, #tpu.memory_space<hbm>> -> memref<1x64xf32, #tpu.memory_space<hbm>>
      tpu.enqueue_dma source(%dma_start3A_464 : memref<1x64xf32, #tpu.memory_space<hbm>>) target(%dma_start3A_462 : memref<1x64xf32, #tpu.memory_space<vmem>>) target_semaphore(%arg13 : memref<!tpu.dma_semaphore, #tpu.memory_space<semaphore_mem>>)
      %slice3A_465 = vector.extract_strided_slice %get3A_54 {offsets = [12], sizes = [1], strides = [1]} : vector<16xi32> to vector<1xi32>
      %squeeze3A_466 = vector.extract %slice3A_465[0] : i32 from vector<1xi32>
      %shift_right_arithmetic3A_467 = arith.constant 3 : i32
      %shift_right_arithmetic3A_468 = arith.shrsi %squeeze3A_466, %shift_right_arithmetic3A_467 : i32
      %and3A_469 = arith.constant 7 : i32
      %and3A_470 = arith.andi %squeeze3A_466, %and3A_469 : i32
      %mul3A_471 = arith.constant 16 : i32
      %mul3A_472 = arith.muli %scan3A_47, %mul3A_471 : i32
      %add3A_473 = arith.constant 12 : i32
      %add3A_474 = arith.addi %mul3A_472, %add3A_473 : i32
      %dma_start3A_475 = arith.constant 0 : i32
      %dma_start3A_476 = tpu.memref_slice %arg10[%add3A_474, %dma_start3A_475] : memref<256x64xf32, #tpu.memory_space<vmem>> -> memref<1x64xf32, #tpu.memory_space<vmem>>
      %dma_start3A_477 = arith.constant 0 : i32
      %dma_start3A_478 = tpu.memref_slice %arg4[%shift_right_arithmetic3A_468, %and3A_470, %dma_start3A_477] : memref<125000x8x64xf32, #tpu.memory_space<hbm>> -> memref<1x1x64xf32, #tpu.memory_space<hbm>>
      %dma_start3A_479 = tpu.memref_squeeze %dma_start3A_478 : memref<1x1x64xf32, #tpu.memory_space<hbm>> -> memref<1x64xf32, #tpu.memory_space<hbm>>
      %dma_start3A_480 = arith.constant 0 : i32
      %dma_start3A_481 = tpu.memref_slice %arg10[%add3A_474, %dma_start3A_480] : memref<256x64xf32, #tpu.memory_space<vmem>> -> memref<1x64xf32, #tpu.memory_space<vmem>>
      %dma_start3A_482 = arith.constant 0 : i32
      %dma_start3A_483 = tpu.memref_slice %arg4[%shift_right_arithmetic3A_468, %and3A_470, %dma_start3A_482] : memref<125000x8x64xf32, #tpu.memory_space<hbm>> -> memref<1x1x64xf32, #tpu.memory_space<hbm>>
      %dma_start3A_484 = tpu.memref_squeeze %dma_start3A_483 : memref<1x1x64xf32, #tpu.memory_space<hbm>> -> memref<1x64xf32, #tpu.memory_space<hbm>>
      tpu.enqueue_dma source(%dma_start3A_484 : memref<1x64xf32, #tpu.memory_space<hbm>>) target(%dma_start3A_481 : memref<1x64xf32, #tpu.memory_space<vmem>>) target_semaphore(%arg12 : memref<!tpu.dma_semaphore, #tpu.memory_space<semaphore_mem>>)
      %slice3A_485 = vector.extract_strided_slice %get3A_61 {offsets = [12], sizes = [1], strides = [1]} : vector<16xi32> to vector<1xi32>
      %squeeze3A_486 = vector.extract %slice3A_485[0] : i32 from vector<1xi32>
      %mul3A_487 = arith.constant 16 : i32
      %mul3A_488 = arith.muli %scan3A_47, %mul3A_487 : i32
      %add3A_489 = arith.constant 12 : i32
      %add3A_490 = arith.addi %mul3A_488, %add3A_489 : i32
      %dma_start3A_491 = arith.constant 0 : i32
      %dma_start3A_492 = tpu.memref_slice %arg11[%add3A_490, %dma_start3A_491] : memref<256x64xf32, #tpu.memory_space<vmem>> -> memref<1x64xf32, #tpu.memory_space<vmem>>
      %dma_start3A_493 = arith.constant 0 : i32
      %dma_start3A_494 = tpu.memref_slice %arg5[%squeeze3A_486, %dma_start3A_493] : memref<100000x64xf32, #tpu.memory_space<hbm>> -> memref<1x64xf32, #tpu.memory_space<hbm>>
      %dma_start3A_495 = arith.constant 0 : i32
      %dma_start3A_496 = tpu.memref_slice %arg11[%add3A_490, %dma_start3A_495] : memref<256x64xf32, #tpu.memory_space<vmem>> -> memref<1x64xf32, #tpu.memory_space<vmem>>
      %dma_start3A_497 = arith.constant 0 : i32
      %dma_start3A_498 = tpu.memref_slice %arg5[%squeeze3A_486, %dma_start3A_497] : memref<100000x64xf32, #tpu.memory_space<hbm>> -> memref<1x64xf32, #tpu.memory_space<hbm>>
      tpu.enqueue_dma source(%dma_start3A_498 : memref<1x64xf32, #tpu.memory_space<hbm>>) target(%dma_start3A_496 : memref<1x64xf32, #tpu.memory_space<vmem>>) target_semaphore(%arg13 : memref<!tpu.dma_semaphore, #tpu.memory_space<semaphore_mem>>)
      %slice3A_499 = vector.extract_strided_slice %get3A_54 {offsets = [13], sizes = [1], strides = [1]} : vector<16xi32> to vector<1xi32>
      %squeeze3A_500 = vector.extract %slice3A_499[0] : i32 from vector<1xi32>
      %shift_right_arithmetic3A_501 = arith.constant 3 : i32
      %shift_right_arithmetic3A_502 = arith.shrsi %squeeze3A_500, %shift_right_arithmetic3A_501 : i32
      %and3A_503 = arith.constant 7 : i32
      %and3A_504 = arith.andi %squeeze3A_500, %and3A_503 : i32
      %mul3A_505 = arith.constant 16 : i32
      %mul3A_506 = arith.muli %scan3A_47, %mul3A_505 : i32
      %add3A_507 = arith.constant 13 : i32
      %add3A_508 = arith.addi %mul3A_506, %add3A_507 : i32
      %dma_start3A_509 = arith.constant 0 : i32
      %dma_start3A_510 = tpu.memref_slice %arg10[%add3A_508, %dma_start3A_509] : memref<256x64xf32, #tpu.memory_space<vmem>> -> memref<1x64xf32, #tpu.memory_space<vmem>>
      %dma_start3A_511 = arith.constant 0 : i32
      %dma_start3A_512 = tpu.memref_slice %arg4[%shift_right_arithmetic3A_502, %and3A_504, %dma_start3A_511] : memref<125000x8x64xf32, #tpu.memory_space<hbm>> -> memref<1x1x64xf32, #tpu.memory_space<hbm>>
      %dma_start3A_513 = tpu.memref_squeeze %dma_start3A_512 : memref<1x1x64xf32, #tpu.memory_space<hbm>> -> memref<1x64xf32, #tpu.memory_space<hbm>>
      %dma_start3A_514 = arith.constant 0 : i32
      %dma_start3A_515 = tpu.memref_slice %arg10[%add3A_508, %dma_start3A_514] : memref<256x64xf32, #tpu.memory_space<vmem>> -> memref<1x64xf32, #tpu.memory_space<vmem>>
      %dma_start3A_516 = arith.constant 0 : i32
      %dma_start3A_517 = tpu.memref_slice %arg4[%shift_right_arithmetic3A_502, %and3A_504, %dma_start3A_516] : memref<125000x8x64xf32, #tpu.memory_space<hbm>> -> memref<1x1x64xf32, #tpu.memory_space<hbm>>
      %dma_start3A_518 = tpu.memref_squeeze %dma_start3A_517 : memref<1x1x64xf32, #tpu.memory_space<hbm>> -> memref<1x64xf32, #tpu.memory_space<hbm>>
      tpu.enqueue_dma source(%dma_start3A_518 : memref<1x64xf32, #tpu.memory_space<hbm>>) target(%dma_start3A_515 : memref<1x64xf32, #tpu.memory_space<vmem>>) target_semaphore(%arg12 : memref<!tpu.dma_semaphore, #tpu.memory_space<semaphore_mem>>)
      %slice3A_519 = vector.extract_strided_slice %get3A_61 {offsets = [13], sizes = [1], strides = [1]} : vector<16xi32> to vector<1xi32>
      %squeeze3A_520 = vector.extract %slice3A_519[0] : i32 from vector<1xi32>
      %mul3A_521 = arith.constant 16 : i32
      %mul3A_522 = arith.muli %scan3A_47, %mul3A_521 : i32
      %add3A_523 = arith.constant 13 : i32
      %add3A_524 = arith.addi %mul3A_522, %add3A_523 : i32
      %dma_start3A_525 = arith.constant 0 : i32
      %dma_start3A_526 = tpu.memref_slice %arg11[%add3A_524, %dma_start3A_525] : memref<256x64xf32, #tpu.memory_space<vmem>> -> memref<1x64xf32, #tpu.memory_space<vmem>>
      %dma_start3A_527 = arith.constant 0 : i32
      %dma_start3A_528 = tpu.memref_slice %arg5[%squeeze3A_520, %dma_start3A_527] : memref<100000x64xf32, #tpu.memory_space<hbm>> -> memref<1x64xf32, #tpu.memory_space<hbm>>
      %dma_start3A_529 = arith.constant 0 : i32
      %dma_start3A_530 = tpu.memref_slice %arg11[%add3A_524, %dma_start3A_529] : memref<256x64xf32, #tpu.memory_space<vmem>> -> memref<1x64xf32, #tpu.memory_space<vmem>>
      %dma_start3A_531 = arith.constant 0 : i32
      %dma_start3A_532 = tpu.memref_slice %arg5[%squeeze3A_520, %dma_start3A_531] : memref<100000x64xf32, #tpu.memory_space<hbm>> -> memref<1x64xf32, #tpu.memory_space<hbm>>
      tpu.enqueue_dma source(%dma_start3A_532 : memref<1x64xf32, #tpu.memory_space<hbm>>) target(%dma_start3A_530 : memref<1x64xf32, #tpu.memory_space<vmem>>) target_semaphore(%arg13 : memref<!tpu.dma_semaphore, #tpu.memory_space<semaphore_mem>>)
      %slice3A_533 = vector.extract_strided_slice %get3A_54 {offsets = [14], sizes = [1], strides = [1]} : vector<16xi32> to vector<1xi32>
      %squeeze3A_534 = vector.extract %slice3A_533[0] : i32 from vector<1xi32>
      %shift_right_arithmetic3A_535 = arith.constant 3 : i32
      %shift_right_arithmetic3A_536 = arith.shrsi %squeeze3A_534, %shift_right_arithmetic3A_535 : i32
      %and3A_537 = arith.constant 7 : i32
      %and3A_538 = arith.andi %squeeze3A_534, %and3A_537 : i32
      %mul3A_539 = arith.constant 16 : i32
      %mul3A_540 = arith.muli %scan3A_47, %mul3A_539 : i32
      %add3A_541 = arith.constant 14 : i32
      %add3A_542 = arith.addi %mul3A_540, %add3A_541 : i32
      %dma_start3A_543 = arith.constant 0 : i32
      %dma_start3A_544 = tpu.memref_slice %arg10[%add3A_542, %dma_start3A_543] : memref<256x64xf32, #tpu.memory_space<vmem>> -> memref<1x64xf32, #tpu.memory_space<vmem>>
      %dma_start3A_545 = arith.constant 0 : i32
      %dma_start3A_546 = tpu.memref_slice %arg4[%shift_right_arithmetic3A_536, %and3A_538, %dma_start3A_545] : memref<125000x8x64xf32, #tpu.memory_space<hbm>> -> memref<1x1x64xf32, #tpu.memory_space<hbm>>
      %dma_start3A_547 = tpu.memref_squeeze %dma_start3A_546 : memref<1x1x64xf32, #tpu.memory_space<hbm>> -> memref<1x64xf32, #tpu.memory_space<hbm>>
      %dma_start3A_548 = arith.constant 0 : i32
      %dma_start3A_549 = tpu.memref_slice %arg10[%add3A_542, %dma_start3A_548] : memref<256x64xf32, #tpu.memory_space<vmem>> -> memref<1x64xf32, #tpu.memory_space<vmem>>
      %dma_start3A_550 = arith.constant 0 : i32
      %dma_start3A_551 = tpu.memref_slice %arg4[%shift_right_arithmetic3A_536, %and3A_538, %dma_start3A_550] : memref<125000x8x64xf32, #tpu.memory_space<hbm>> -> memref<1x1x64xf32, #tpu.memory_space<hbm>>
      %dma_start3A_552 = tpu.memref_squeeze %dma_start3A_551 : memref<1x1x64xf32, #tpu.memory_space<hbm>> -> memref<1x64xf32, #tpu.memory_space<hbm>>
      tpu.enqueue_dma source(%dma_start3A_552 : memref<1x64xf32, #tpu.memory_space<hbm>>) target(%dma_start3A_549 : memref<1x64xf32, #tpu.memory_space<vmem>>) target_semaphore(%arg12 : memref<!tpu.dma_semaphore, #tpu.memory_space<semaphore_mem>>)
      %slice3A_553 = vector.extract_strided_slice %get3A_61 {offsets = [14], sizes = [1], strides = [1]} : vector<16xi32> to vector<1xi32>
      %squeeze3A_554 = vector.extract %slice3A_553[0] : i32 from vector<1xi32>
      %mul3A_555 = arith.constant 16 : i32
      %mul3A_556 = arith.muli %scan3A_47, %mul3A_555 : i32
      %add3A_557 = arith.constant 14 : i32
      %add3A_558 = arith.addi %mul3A_556, %add3A_557 : i32
      %dma_start3A_559 = arith.constant 0 : i32
      %dma_start3A_560 = tpu.memref_slice %arg11[%add3A_558, %dma_start3A_559] : memref<256x64xf32, #tpu.memory_space<vmem>> -> memref<1x64xf32, #tpu.memory_space<vmem>>
      %dma_start3A_561 = arith.constant 0 : i32
      %dma_start3A_562 = tpu.memref_slice %arg5[%squeeze3A_554, %dma_start3A_561] : memref<100000x64xf32, #tpu.memory_space<hbm>> -> memref<1x64xf32, #tpu.memory_space<hbm>>
      %dma_start3A_563 = arith.constant 0 : i32
      %dma_start3A_564 = tpu.memref_slice %arg11[%add3A_558, %dma_start3A_563] : memref<256x64xf32, #tpu.memory_space<vmem>> -> memref<1x64xf32, #tpu.memory_space<vmem>>
      %dma_start3A_565 = arith.constant 0 : i32
      %dma_start3A_566 = tpu.memref_slice %arg5[%squeeze3A_554, %dma_start3A_565] : memref<100000x64xf32, #tpu.memory_space<hbm>> -> memref<1x64xf32, #tpu.memory_space<hbm>>
      tpu.enqueue_dma source(%dma_start3A_566 : memref<1x64xf32, #tpu.memory_space<hbm>>) target(%dma_start3A_564 : memref<1x64xf32, #tpu.memory_space<vmem>>) target_semaphore(%arg13 : memref<!tpu.dma_semaphore, #tpu.memory_space<semaphore_mem>>)
      %slice3A_567 = vector.extract_strided_slice %get3A_54 {offsets = [15], sizes = [1], strides = [1]} : vector<16xi32> to vector<1xi32>
      %squeeze3A_568 = vector.extract %slice3A_567[0] : i32 from vector<1xi32>
      %shift_right_arithmetic3A_569 = arith.constant 3 : i32
      %shift_right_arithmetic3A_570 = arith.shrsi %squeeze3A_568, %shift_right_arithmetic3A_569 : i32
      %and3A_571 = arith.constant 7 : i32
      %and3A_572 = arith.andi %squeeze3A_568, %and3A_571 : i32
      %mul3A_573 = arith.constant 16 : i32
      %mul3A_574 = arith.muli %scan3A_47, %mul3A_573 : i32
      %add3A_575 = arith.constant 15 : i32
      %add3A_576 = arith.addi %mul3A_574, %add3A_575 : i32
      %dma_start3A_577 = arith.constant 0 : i32
      %dma_start3A_578 = tpu.memref_slice %arg10[%add3A_576, %dma_start3A_577] : memref<256x64xf32, #tpu.memory_space<vmem>> -> memref<1x64xf32, #tpu.memory_space<vmem>>
      %dma_start3A_579 = arith.constant 0 : i32
      %dma_start3A_580 = tpu.memref_slice %arg4[%shift_right_arithmetic3A_570, %and3A_572, %dma_start3A_579] : memref<125000x8x64xf32, #tpu.memory_space<hbm>> -> memref<1x1x64xf32, #tpu.memory_space<hbm>>
      %dma_start3A_581 = tpu.memref_squeeze %dma_start3A_580 : memref<1x1x64xf32, #tpu.memory_space<hbm>> -> memref<1x64xf32, #tpu.memory_space<hbm>>
      %dma_start3A_582 = arith.constant 0 : i32
      %dma_start3A_583 = tpu.memref_slice %arg10[%add3A_576, %dma_start3A_582] : memref<256x64xf32, #tpu.memory_space<vmem>> -> memref<1x64xf32, #tpu.memory_space<vmem>>
      %dma_start3A_584 = arith.constant 0 : i32
      %dma_start3A_585 = tpu.memref_slice %arg4[%shift_right_arithmetic3A_570, %and3A_572, %dma_start3A_584] : memref<125000x8x64xf32, #tpu.memory_space<hbm>> -> memref<1x1x64xf32, #tpu.memory_space<hbm>>
      %dma_start3A_586 = tpu.memref_squeeze %dma_start3A_585 : memref<1x1x64xf32, #tpu.memory_space<hbm>> -> memref<1x64xf32, #tpu.memory_space<hbm>>
      tpu.enqueue_dma source(%dma_start3A_586 : memref<1x64xf32, #tpu.memory_space<hbm>>) target(%dma_start3A_583 : memref<1x64xf32, #tpu.memory_space<vmem>>) target_semaphore(%arg12 : memref<!tpu.dma_semaphore, #tpu.memory_space<semaphore_mem>>)
      %slice3A_587 = vector.extract_strided_slice %get3A_61 {offsets = [15], sizes = [1], strides = [1]} : vector<16xi32> to vector<1xi32>
      %squeeze3A_588 = vector.extract %slice3A_587[0] : i32 from vector<1xi32>
      %mul3A_589 = arith.constant 16 : i32
      %mul3A_590 = arith.muli %scan3A_47, %mul3A_589 : i32
      %add3A_591 = arith.constant 15 : i32
      %add3A_592 = arith.addi %mul3A_590, %add3A_591 : i32
      %dma_start3A_593 = arith.constant 0 : i32
      %dma_start3A_594 = tpu.memref_slice %arg11[%add3A_592, %dma_start3A_593] : memref<256x64xf32, #tpu.memory_space<vmem>> -> memref<1x64xf32, #tpu.memory_space<vmem>>
      %dma_start3A_595 = arith.constant 0 : i32
      %dma_start3A_596 = tpu.memref_slice %arg5[%squeeze3A_588, %dma_start3A_595] : memref<100000x64xf32, #tpu.memory_space<hbm>> -> memref<1x64xf32, #tpu.memory_space<hbm>>
      %dma_start3A_597 = arith.constant 0 : i32
      %dma_start3A_598 = tpu.memref_slice %arg11[%add3A_592, %dma_start3A_597] : memref<256x64xf32, #tpu.memory_space<vmem>> -> memref<1x64xf32, #tpu.memory_space<vmem>>
      %dma_start3A_599 = arith.constant 0 : i32
      %dma_start3A_600 = tpu.memref_slice %arg5[%squeeze3A_588, %dma_start3A_599] : memref<100000x64xf32, #tpu.memory_space<hbm>> -> memref<1x64xf32, #tpu.memory_space<hbm>>
      tpu.enqueue_dma source(%dma_start3A_600 : memref<1x64xf32, #tpu.memory_space<hbm>>) target(%dma_start3A_598 : memref<1x64xf32, #tpu.memory_space<vmem>>) target_semaphore(%arg13 : memref<!tpu.dma_semaphore, #tpu.memory_space<semaphore_mem>>)
      %scan3A_601 = arith.constant 0 : i32
      scf.yield %scan3A_601 : i32
    }
    %scan3A_8 = arith.constant 16 : i32
    %dma_wait3A = arith.constant 0 : i32
    %dma_wait3A_9 = arith.constant 0 : i32
    %dma_wait3A_10 = tpu.memref_slice %arg5[%dma_wait3A, %dma_wait3A_9] : memref<100000x64xf32, #tpu.memory_space<hbm>> -> memref<256x64xf32, #tpu.memory_space<hbm>>
    %dma_wait3A_11 = arith.constant 0 : i32
    %dma_wait3A_12 = arith.constant 0 : i32
    %dma_wait3A_13 = tpu.memref_slice %arg5[%dma_wait3A_11, %dma_wait3A_12] : memref<100000x64xf32, #tpu.memory_space<hbm>> -> memref<256x64xf32, #tpu.memory_space<hbm>>
    tpu.wait_dma2 semaphore(%arg12 : memref<!tpu.dma_semaphore, #tpu.memory_space<semaphore_mem>>) src(%dma_wait3A_13 : memref<256x64xf32, #tpu.memory_space<hbm>>) dst(%arg10 : memref<256x64xf32, #tpu.memory_space<vmem>>)
    %dma_wait3A_14 = arith.constant 0 : i32
    %dma_wait3A_15 = arith.constant 0 : i32
    %dma_wait3A_16 = tpu.memref_slice %arg5[%dma_wait3A_14, %dma_wait3A_15] : memref<100000x64xf32, #tpu.memory_space<hbm>> -> memref<256x64xf32, #tpu.memory_space<hbm>>
    %dma_wait3A_17 = arith.constant 0 : i32
    %dma_wait3A_18 = arith.constant 0 : i32
    %dma_wait3A_19 = tpu.memref_slice %arg5[%dma_wait3A_17, %dma_wait3A_18] : memref<100000x64xf32, #tpu.memory_space<hbm>> -> memref<256x64xf32, #tpu.memory_space<hbm>>
    tpu.wait_dma2 semaphore(%arg13 : memref<!tpu.dma_semaphore, #tpu.memory_space<semaphore_mem>>) src(%dma_wait3A_19 : memref<256x64xf32, #tpu.memory_space<hbm>>) dst(%arg11 : memref<256x64xf32, #tpu.memory_space<vmem>>)
    %add3A_20 = arith.constant 0 : i32
    %add3A_21 = arith.addi %mul3A_2, %add3A_20 : i32
    "tpu.region"() ({
      %run_scoped3A = tpu.sem_alloc : memref<!tpu.dma_semaphore, #tpu.memory_space<semaphore_mem>>
      %dma_start3A = arith.constant 0 : i32
      %dma_start3A_47 = tpu.memref_slice %arg6[%add3A_21, %dma_start3A] : memref<16384x64xf32, #tpu.memory_space<hbm>> -> memref<256x64xf32, #tpu.memory_space<hbm>>
      %dma_start3A_48 = arith.constant 0 : i32
      %dma_start3A_49 = tpu.memref_slice %arg6[%add3A_21, %dma_start3A_48] : memref<16384x64xf32, #tpu.memory_space<hbm>> -> memref<256x64xf32, #tpu.memory_space<hbm>>
      tpu.enqueue_dma source(%arg10 : memref<256x64xf32, #tpu.memory_space<vmem>>) target(%dma_start3A_49 : memref<256x64xf32, #tpu.memory_space<hbm>>) target_semaphore(%run_scoped3A : memref<!tpu.dma_semaphore, #tpu.memory_space<semaphore_mem>>)
      %dma_wait3A_50 = arith.constant 0 : i32
      %dma_wait3A_51 = tpu.memref_slice %arg6[%add3A_21, %dma_wait3A_50] : memref<16384x64xf32, #tpu.memory_space<hbm>> -> memref<256x64xf32, #tpu.memory_space<hbm>>
      %dma_wait3A_52 = arith.constant 0 : i32
      %dma_wait3A_53 = tpu.memref_slice %arg6[%add3A_21, %dma_wait3A_52] : memref<16384x64xf32, #tpu.memory_space<hbm>> -> memref<256x64xf32, #tpu.memory_space<hbm>>
      tpu.wait_dma2 semaphore(%run_scoped3A : memref<!tpu.dma_semaphore, #tpu.memory_space<semaphore_mem>>) src(%arg10 : memref<256x64xf32, #tpu.memory_space<vmem>>) dst(%dma_wait3A_53 : memref<256x64xf32, #tpu.memory_space<hbm>>)
      tpu.yield
    }) : () -> ()
    %add3A_22 = arith.constant 0 : i32
    %add3A_23 = arith.addi %mul3A_2, %add3A_22 : i32
    "tpu.region"() ({
      %run_scoped3A = tpu.sem_alloc : memref<!tpu.dma_semaphore, #tpu.memory_space<semaphore_mem>>
      %dma_start3A = arith.constant 0 : i32
      %dma_start3A_47 = tpu.memref_slice %arg7[%add3A_23, %dma_start3A] : memref<16384x64xf32, #tpu.memory_space<hbm>> -> memref<256x64xf32, #tpu.memory_space<hbm>>
      %dma_start3A_48 = arith.constant 0 : i32
      %dma_start3A_49 = tpu.memref_slice %arg7[%add3A_23, %dma_start3A_48] : memref<16384x64xf32, #tpu.memory_space<hbm>> -> memref<256x64xf32, #tpu.memory_space<hbm>>
      tpu.enqueue_dma source(%arg11 : memref<256x64xf32, #tpu.memory_space<vmem>>) target(%dma_start3A_49 : memref<256x64xf32, #tpu.memory_space<hbm>>) target_semaphore(%run_scoped3A : memref<!tpu.dma_semaphore, #tpu.memory_space<semaphore_mem>>)
      %dma_wait3A_50 = arith.constant 0 : i32
      %dma_wait3A_51 = tpu.memref_slice %arg7[%add3A_23, %dma_wait3A_50] : memref<16384x64xf32, #tpu.memory_space<hbm>> -> memref<256x64xf32, #tpu.memory_space<hbm>>
      %dma_wait3A_52 = arith.constant 0 : i32
      %dma_wait3A_53 = tpu.memref_slice %arg7[%add3A_23, %dma_wait3A_52] : memref<16384x64xf32, #tpu.memory_space<hbm>> -> memref<256x64xf32, #tpu.memory_space<hbm>>
      tpu.wait_dma2 semaphore(%run_scoped3A : memref<!tpu.dma_semaphore, #tpu.memory_space<semaphore_mem>>) src(%arg11 : memref<256x64xf32, #tpu.memory_space<vmem>>) dst(%dma_wait3A_53 : memref<256x64xf32, #tpu.memory_space<hbm>>)
      tpu.yield
    }) : () -> ()
    %scan3A_24 = arith.constant 0 : i32
    %scan3A_25 = arith.constant 0 : i32
    %scan3A_26 = arith.constant 16 : i32
    %scan3A_27 = arith.addi %scan3A_25, %scan3A_26 : i32
    %scan3A_28 = arith.constant 1 : i32
    %scan3A_29 = scf.for %scan3A_47 = %scan3A_25 to %scan3A_27 step %scan3A_28 iter_args(%scan3A_48 = %scan3A_24) -> (i32)  : i32 {
      %mul3A_49 = arith.constant 16 : i32
      %mul3A_50 = arith.muli %scan3A_47, %mul3A_49 : i32
      %add3A_51 = arith.constant 256 : i32
      %add3A_52 = arith.addi %add3A_51, %mul3A_50 : i32
      %get3A = arith.index_cast %add3A_52 : i32 to index
      %get3A_53 = tpu.vector_load %arg8[%get3A] {strides = array<i32>} : memref<512xi32, #tpu.memory_space<vmem>>, vector<16xi32>,
      %get3A_54 = vector.shape_cast %get3A_53 : vector<16xi32> to vector<16xi32>
      %mul3A_55 = arith.constant 16 : i32
      %mul3A_56 = arith.muli %scan3A_47, %mul3A_55 : i32
      %add3A_57 = arith.constant 256 : i32
      %add3A_58 = arith.addi %add3A_57, %mul3A_56 : i32
      %get3A_59 = arith.index_cast %add3A_58 : i32 to index
      %get3A_60 = tpu.vector_load %arg9[%get3A_59] {strides = array<i32>} : memref<512xi32, #tpu.memory_space<vmem>>, vector<16xi32>,
      %get3A_61 = vector.shape_cast %get3A_60 : vector<16xi32> to vector<16xi32>
      %slice3A = vector.extract_strided_slice %get3A_54 {offsets = [0], sizes = [1], strides = [1]} : vector<16xi32> to vector<1xi32>
      %squeeze3A = vector.extract %slice3A[0] : i32 from vector<1xi32>
      %shift_right_arithmetic3A = arith.constant 3 : i32
      %shift_right_arithmetic3A_62 = arith.shrsi %squeeze3A, %shift_right_arithmetic3A : i32
      %and3A = arith.constant 7 : i32
      %and3A_63 = arith.andi %squeeze3A, %and3A : i32
      %mul3A_64 = arith.constant 16 : i32
      %mul3A_65 = arith.muli %scan3A_47, %mul3A_64 : i32
      %add3A_66 = arith.constant 0 : i32
      %add3A_67 = arith.addi %mul3A_65, %add3A_66 : i32
      %dma_start3A = arith.constant 0 : i32
      %dma_start3A_68 = tpu.memref_slice %arg10[%add3A_67, %dma_start3A] : memref<256x64xf32, #tpu.memory_space<vmem>> -> memref<1x64xf32, #tpu.memory_space<vmem>>
      %dma_start3A_69 = arith.constant 0 : i32
      %dma_start3A_70 = tpu.memref_slice %arg4[%shift_right_arithmetic3A_62, %and3A_63, %dma_start3A_69] : memref<125000x8x64xf32, #tpu.memory_space<hbm>> -> memref<1x1x64xf32, #tpu.memory_space<hbm>>
      %dma_start3A_71 = tpu.memref_squeeze %dma_start3A_70 : memref<1x1x64xf32, #tpu.memory_space<hbm>> -> memref<1x64xf32, #tpu.memory_space<hbm>>
      %dma_start3A_72 = arith.constant 0 : i32
      %dma_start3A_73 = tpu.memref_slice %arg10[%add3A_67, %dma_start3A_72] : memref<256x64xf32, #tpu.memory_space<vmem>> -> memref<1x64xf32, #tpu.memory_space<vmem>>
      %dma_start3A_74 = arith.constant 0 : i32
      %dma_start3A_75 = tpu.memref_slice %arg4[%shift_right_arithmetic3A_62, %and3A_63, %dma_start3A_74] : memref<125000x8x64xf32, #tpu.memory_space<hbm>> -> memref<1x1x64xf32, #tpu.memory_space<hbm>>
      %dma_start3A_76 = tpu.memref_squeeze %dma_start3A_75 : memref<1x1x64xf32, #tpu.memory_space<hbm>> -> memref<1x64xf32, #tpu.memory_space<hbm>>
      tpu.enqueue_dma source(%dma_start3A_76 : memref<1x64xf32, #tpu.memory_space<hbm>>) target(%dma_start3A_73 : memref<1x64xf32, #tpu.memory_space<vmem>>) target_semaphore(%arg12 : memref<!tpu.dma_semaphore, #tpu.memory_space<semaphore_mem>>)
      %slice3A_77 = vector.extract_strided_slice %get3A_61 {offsets = [0], sizes = [1], strides = [1]} : vector<16xi32> to vector<1xi32>
      %squeeze3A_78 = vector.extract %slice3A_77[0] : i32 from vector<1xi32>
      %mul3A_79 = arith.constant 16 : i32
      %mul3A_80 = arith.muli %scan3A_47, %mul3A_79 : i32
      %add3A_81 = arith.constant 0 : i32
      %add3A_82 = arith.addi %mul3A_80, %add3A_81 : i32
      %dma_start3A_83 = arith.constant 0 : i32
      %dma_start3A_84 = tpu.memref_slice %arg11[%add3A_82, %dma_start3A_83] : memref<256x64xf32, #tpu.memory_space<vmem>> -> memref<1x64xf32, #tpu.memory_space<vmem>>
      %dma_start3A_85 = arith.constant 0 : i32
      %dma_start3A_86 = tpu.memref_slice %arg5[%squeeze3A_78, %dma_start3A_85] : memref<100000x64xf32, #tpu.memory_space<hbm>> -> memref<1x64xf32, #tpu.memory_space<hbm>>
      %dma_start3A_87 = arith.constant 0 : i32
      %dma_start3A_88 = tpu.memref_slice %arg11[%add3A_82, %dma_start3A_87] : memref<256x64xf32, #tpu.memory_space<vmem>> -> memref<1x64xf32, #tpu.memory_space<vmem>>
      %dma_start3A_89 = arith.constant 0 : i32
      %dma_start3A_90 = tpu.memref_slice %arg5[%squeeze3A_78, %dma_start3A_89] : memref<100000x64xf32, #tpu.memory_space<hbm>> -> memref<1x64xf32, #tpu.memory_space<hbm>>
      tpu.enqueue_dma source(%dma_start3A_90 : memref<1x64xf32, #tpu.memory_space<hbm>>) target(%dma_start3A_88 : memref<1x64xf32, #tpu.memory_space<vmem>>) target_semaphore(%arg13 : memref<!tpu.dma_semaphore, #tpu.memory_space<semaphore_mem>>)
      %slice3A_91 = vector.extract_strided_slice %get3A_54 {offsets = [1], sizes = [1], strides = [1]} : vector<16xi32> to vector<1xi32>
      %squeeze3A_92 = vector.extract %slice3A_91[0] : i32 from vector<1xi32>
      %shift_right_arithmetic3A_93 = arith.constant 3 : i32
      %shift_right_arithmetic3A_94 = arith.shrsi %squeeze3A_92, %shift_right_arithmetic3A_93 : i32
      %and3A_95 = arith.constant 7 : i32
      %and3A_96 = arith.andi %squeeze3A_92, %and3A_95 : i32
      %mul3A_97 = arith.constant 16 : i32
      %mul3A_98 = arith.muli %scan3A_47, %mul3A_97 : i32
      %add3A_99 = arith.constant 1 : i32
      %add3A_100 = arith.addi %mul3A_98, %add3A_99 : i32
      %dma_start3A_101 = arith.constant 0 : i32
      %dma_start3A_102 = tpu.memref_slice %arg10[%add3A_100, %dma_start3A_101] : memref<256x64xf32, #tpu.memory_space<vmem>> -> memref<1x64xf32, #tpu.memory_space<vmem>>
      %dma_start3A_103 = arith.constant 0 : i32
      %dma_start3A_104 = tpu.memref_slice %arg4[%shift_right_arithmetic3A_94, %and3A_96, %dma_start3A_103] : memref<125000x8x64xf32, #tpu.memory_space<hbm>> -> memref<1x1x64xf32, #tpu.memory_space<hbm>>
      %dma_start3A_105 = tpu.memref_squeeze %dma_start3A_104 : memref<1x1x64xf32, #tpu.memory_space<hbm>> -> memref<1x64xf32, #tpu.memory_space<hbm>>
      %dma_start3A_106 = arith.constant 0 : i32
      %dma_start3A_107 = tpu.memref_slice %arg10[%add3A_100, %dma_start3A_106] : memref<256x64xf32, #tpu.memory_space<vmem>> -> memref<1x64xf32, #tpu.memory_space<vmem>>
      %dma_start3A_108 = arith.constant 0 : i32
      %dma_start3A_109 = tpu.memref_slice %arg4[%shift_right_arithmetic3A_94, %and3A_96, %dma_start3A_108] : memref<125000x8x64xf32, #tpu.memory_space<hbm>> -> memref<1x1x64xf32, #tpu.memory_space<hbm>>
      %dma_start3A_110 = tpu.memref_squeeze %dma_start3A_109 : memref<1x1x64xf32, #tpu.memory_space<hbm>> -> memref<1x64xf32, #tpu.memory_space<hbm>>
      tpu.enqueue_dma source(%dma_start3A_110 : memref<1x64xf32, #tpu.memory_space<hbm>>) target(%dma_start3A_107 : memref<1x64xf32, #tpu.memory_space<vmem>>) target_semaphore(%arg12 : memref<!tpu.dma_semaphore, #tpu.memory_space<semaphore_mem>>)
      %slice3A_111 = vector.extract_strided_slice %get3A_61 {offsets = [1], sizes = [1], strides = [1]} : vector<16xi32> to vector<1xi32>
      %squeeze3A_112 = vector.extract %slice3A_111[0] : i32 from vector<1xi32>
      %mul3A_113 = arith.constant 16 : i32
      %mul3A_114 = arith.muli %scan3A_47, %mul3A_113 : i32
      %add3A_115 = arith.constant 1 : i32
      %add3A_116 = arith.addi %mul3A_114, %add3A_115 : i32
      %dma_start3A_117 = arith.constant 0 : i32
      %dma_start3A_118 = tpu.memref_slice %arg11[%add3A_116, %dma_start3A_117] : memref<256x64xf32, #tpu.memory_space<vmem>> -> memref<1x64xf32, #tpu.memory_space<vmem>>
      %dma_start3A_119 = arith.constant 0 : i32
      %dma_start3A_120 = tpu.memref_slice %arg5[%squeeze3A_112, %dma_start3A_119] : memref<100000x64xf32, #tpu.memory_space<hbm>> -> memref<1x64xf32, #tpu.memory_space<hbm>>
      %dma_start3A_121 = arith.constant 0 : i32
      %dma_start3A_122 = tpu.memref_slice %arg11[%add3A_116, %dma_start3A_121] : memref<256x64xf32, #tpu.memory_space<vmem>> -> memref<1x64xf32, #tpu.memory_space<vmem>>
      %dma_start3A_123 = arith.constant 0 : i32
      %dma_start3A_124 = tpu.memref_slice %arg5[%squeeze3A_112, %dma_start3A_123] : memref<100000x64xf32, #tpu.memory_space<hbm>> -> memref<1x64xf32, #tpu.memory_space<hbm>>
      tpu.enqueue_dma source(%dma_start3A_124 : memref<1x64xf32, #tpu.memory_space<hbm>>) target(%dma_start3A_122 : memref<1x64xf32, #tpu.memory_space<vmem>>) target_semaphore(%arg13 : memref<!tpu.dma_semaphore, #tpu.memory_space<semaphore_mem>>)
      %slice3A_125 = vector.extract_strided_slice %get3A_54 {offsets = [2], sizes = [1], strides = [1]} : vector<16xi32> to vector<1xi32>
      %squeeze3A_126 = vector.extract %slice3A_125[0] : i32 from vector<1xi32>
      %shift_right_arithmetic3A_127 = arith.constant 3 : i32
      %shift_right_arithmetic3A_128 = arith.shrsi %squeeze3A_126, %shift_right_arithmetic3A_127 : i32
      %and3A_129 = arith.constant 7 : i32
      %and3A_130 = arith.andi %squeeze3A_126, %and3A_129 : i32
      %mul3A_131 = arith.constant 16 : i32
      %mul3A_132 = arith.muli %scan3A_47, %mul3A_131 : i32
      %add3A_133 = arith.constant 2 : i32
      %add3A_134 = arith.addi %mul3A_132, %add3A_133 : i32
      %dma_start3A_135 = arith.constant 0 : i32
      %dma_start3A_136 = tpu.memref_slice %arg10[%add3A_134, %dma_start3A_135] : memref<256x64xf32, #tpu.memory_space<vmem>> -> memref<1x64xf32, #tpu.memory_space<vmem>>
      %dma_start3A_137 = arith.constant 0 : i32
      %dma_start3A_138 = tpu.memref_slice %arg4[%shift_right_arithmetic3A_128, %and3A_130, %dma_start3A_137] : memref<125000x8x64xf32, #tpu.memory_space<hbm>> -> memref<1x1x64xf32, #tpu.memory_space<hbm>>
      %dma_start3A_139 = tpu.memref_squeeze %dma_start3A_138 : memref<1x1x64xf32, #tpu.memory_space<hbm>> -> memref<1x64xf32, #tpu.memory_space<hbm>>
      %dma_start3A_140 = arith.constant 0 : i32
      %dma_start3A_141 = tpu.memref_slice %arg10[%add3A_134, %dma_start3A_140] : memref<256x64xf32, #tpu.memory_space<vmem>> -> memref<1x64xf32, #tpu.memory_space<vmem>>
      %dma_start3A_142 = arith.constant 0 : i32
      %dma_start3A_143 = tpu.memref_slice %arg4[%shift_right_arithmetic3A_128, %and3A_130, %dma_start3A_142] : memref<125000x8x64xf32, #tpu.memory_space<hbm>> -> memref<1x1x64xf32, #tpu.memory_space<hbm>>
      %dma_start3A_144 = tpu.memref_squeeze %dma_start3A_143 : memref<1x1x64xf32, #tpu.memory_space<hbm>> -> memref<1x64xf32, #tpu.memory_space<hbm>>
      tpu.enqueue_dma source(%dma_start3A_144 : memref<1x64xf32, #tpu.memory_space<hbm>>) target(%dma_start3A_141 : memref<1x64xf32, #tpu.memory_space<vmem>>) target_semaphore(%arg12 : memref<!tpu.dma_semaphore, #tpu.memory_space<semaphore_mem>>)
      %slice3A_145 = vector.extract_strided_slice %get3A_61 {offsets = [2], sizes = [1], strides = [1]} : vector<16xi32> to vector<1xi32>
      %squeeze3A_146 = vector.extract %slice3A_145[0] : i32 from vector<1xi32>
      %mul3A_147 = arith.constant 16 : i32
      %mul3A_148 = arith.muli %scan3A_47, %mul3A_147 : i32
      %add3A_149 = arith.constant 2 : i32
      %add3A_150 = arith.addi %mul3A_148, %add3A_149 : i32
      %dma_start3A_151 = arith.constant 0 : i32
      %dma_start3A_152 = tpu.memref_slice %arg11[%add3A_150, %dma_start3A_151] : memref<256x64xf32, #tpu.memory_space<vmem>> -> memref<1x64xf32, #tpu.memory_space<vmem>>
      %dma_start3A_153 = arith.constant 0 : i32
      %dma_start3A_154 = tpu.memref_slice %arg5[%squeeze3A_146, %dma_start3A_153] : memref<100000x64xf32, #tpu.memory_space<hbm>> -> memref<1x64xf32, #tpu.memory_space<hbm>>
      %dma_start3A_155 = arith.constant 0 : i32
      %dma_start3A_156 = tpu.memref_slice %arg11[%add3A_150, %dma_start3A_155] : memref<256x64xf32, #tpu.memory_space<vmem>> -> memref<1x64xf32, #tpu.memory_space<vmem>>
      %dma_start3A_157 = arith.constant 0 : i32
      %dma_start3A_158 = tpu.memref_slice %arg5[%squeeze3A_146, %dma_start3A_157] : memref<100000x64xf32, #tpu.memory_space<hbm>> -> memref<1x64xf32, #tpu.memory_space<hbm>>
      tpu.enqueue_dma source(%dma_start3A_158 : memref<1x64xf32, #tpu.memory_space<hbm>>) target(%dma_start3A_156 : memref<1x64xf32, #tpu.memory_space<vmem>>) target_semaphore(%arg13 : memref<!tpu.dma_semaphore, #tpu.memory_space<semaphore_mem>>)
      %slice3A_159 = vector.extract_strided_slice %get3A_54 {offsets = [3], sizes = [1], strides = [1]} : vector<16xi32> to vector<1xi32>
      %squeeze3A_160 = vector.extract %slice3A_159[0] : i32 from vector<1xi32>
      %shift_right_arithmetic3A_161 = arith.constant 3 : i32
      %shift_right_arithmetic3A_162 = arith.shrsi %squeeze3A_160, %shift_right_arithmetic3A_161 : i32
      %and3A_163 = arith.constant 7 : i32
      %and3A_164 = arith.andi %squeeze3A_160, %and3A_163 : i32
      %mul3A_165 = arith.constant 16 : i32
      %mul3A_166 = arith.muli %scan3A_47, %mul3A_165 : i32
      %add3A_167 = arith.constant 3 : i32
      %add3A_168 = arith.addi %mul3A_166, %add3A_167 : i32
      %dma_start3A_169 = arith.constant 0 : i32
      %dma_start3A_170 = tpu.memref_slice %arg10[%add3A_168, %dma_start3A_169] : memref<256x64xf32, #tpu.memory_space<vmem>> -> memref<1x64xf32, #tpu.memory_space<vmem>>
      %dma_start3A_171 = arith.constant 0 : i32
      %dma_start3A_172 = tpu.memref_slice %arg4[%shift_right_arithmetic3A_162, %and3A_164, %dma_start3A_171] : memref<125000x8x64xf32, #tpu.memory_space<hbm>> -> memref<1x1x64xf32, #tpu.memory_space<hbm>>
      %dma_start3A_173 = tpu.memref_squeeze %dma_start3A_172 : memref<1x1x64xf32, #tpu.memory_space<hbm>> -> memref<1x64xf32, #tpu.memory_space<hbm>>
      %dma_start3A_174 = arith.constant 0 : i32
      %dma_start3A_175 = tpu.memref_slice %arg10[%add3A_168, %dma_start3A_174] : memref<256x64xf32, #tpu.memory_space<vmem>> -> memref<1x64xf32, #tpu.memory_space<vmem>>
      %dma_start3A_176 = arith.constant 0 : i32
      %dma_start3A_177 = tpu.memref_slice %arg4[%shift_right_arithmetic3A_162, %and3A_164, %dma_start3A_176] : memref<125000x8x64xf32, #tpu.memory_space<hbm>> -> memref<1x1x64xf32, #tpu.memory_space<hbm>>
      %dma_start3A_178 = tpu.memref_squeeze %dma_start3A_177 : memref<1x1x64xf32, #tpu.memory_space<hbm>> -> memref<1x64xf32, #tpu.memory_space<hbm>>
      tpu.enqueue_dma source(%dma_start3A_178 : memref<1x64xf32, #tpu.memory_space<hbm>>) target(%dma_start3A_175 : memref<1x64xf32, #tpu.memory_space<vmem>>) target_semaphore(%arg12 : memref<!tpu.dma_semaphore, #tpu.memory_space<semaphore_mem>>)
      %slice3A_179 = vector.extract_strided_slice %get3A_61 {offsets = [3], sizes = [1], strides = [1]} : vector<16xi32> to vector<1xi32>
      %squeeze3A_180 = vector.extract %slice3A_179[0] : i32 from vector<1xi32>
      %mul3A_181 = arith.constant 16 : i32
      %mul3A_182 = arith.muli %scan3A_47, %mul3A_181 : i32
      %add3A_183 = arith.constant 3 : i32
      %add3A_184 = arith.addi %mul3A_182, %add3A_183 : i32
      %dma_start3A_185 = arith.constant 0 : i32
      %dma_start3A_186 = tpu.memref_slice %arg11[%add3A_184, %dma_start3A_185] : memref<256x64xf32, #tpu.memory_space<vmem>> -> memref<1x64xf32, #tpu.memory_space<vmem>>
      %dma_start3A_187 = arith.constant 0 : i32
      %dma_start3A_188 = tpu.memref_slice %arg5[%squeeze3A_180, %dma_start3A_187] : memref<100000x64xf32, #tpu.memory_space<hbm>> -> memref<1x64xf32, #tpu.memory_space<hbm>>
      %dma_start3A_189 = arith.constant 0 : i32
      %dma_start3A_190 = tpu.memref_slice %arg11[%add3A_184, %dma_start3A_189] : memref<256x64xf32, #tpu.memory_space<vmem>> -> memref<1x64xf32, #tpu.memory_space<vmem>>
      %dma_start3A_191 = arith.constant 0 : i32
      %dma_start3A_192 = tpu.memref_slice %arg5[%squeeze3A_180, %dma_start3A_191] : memref<100000x64xf32, #tpu.memory_space<hbm>> -> memref<1x64xf32, #tpu.memory_space<hbm>>
      tpu.enqueue_dma source(%dma_start3A_192 : memref<1x64xf32, #tpu.memory_space<hbm>>) target(%dma_start3A_190 : memref<1x64xf32, #tpu.memory_space<vmem>>) target_semaphore(%arg13 : memref<!tpu.dma_semaphore, #tpu.memory_space<semaphore_mem>>)
      %slice3A_193 = vector.extract_strided_slice %get3A_54 {offsets = [4], sizes = [1], strides = [1]} : vector<16xi32> to vector<1xi32>
      %squeeze3A_194 = vector.extract %slice3A_193[0] : i32 from vector<1xi32>
      %shift_right_arithmetic3A_195 = arith.constant 3 : i32
      %shift_right_arithmetic3A_196 = arith.shrsi %squeeze3A_194, %shift_right_arithmetic3A_195 : i32
      %and3A_197 = arith.constant 7 : i32
      %and3A_198 = arith.andi %squeeze3A_194, %and3A_197 : i32
      %mul3A_199 = arith.constant 16 : i32
      %mul3A_200 = arith.muli %scan3A_47, %mul3A_199 : i32
      %add3A_201 = arith.constant 4 : i32
      %add3A_202 = arith.addi %mul3A_200, %add3A_201 : i32
      %dma_start3A_203 = arith.constant 0 : i32
      %dma_start3A_204 = tpu.memref_slice %arg10[%add3A_202, %dma_start3A_203] : memref<256x64xf32, #tpu.memory_space<vmem>> -> memref<1x64xf32, #tpu.memory_space<vmem>>
      %dma_start3A_205 = arith.constant 0 : i32
      %dma_start3A_206 = tpu.memref_slice %arg4[%shift_right_arithmetic3A_196, %and3A_198, %dma_start3A_205] : memref<125000x8x64xf32, #tpu.memory_space<hbm>> -> memref<1x1x64xf32, #tpu.memory_space<hbm>>
      %dma_start3A_207 = tpu.memref_squeeze %dma_start3A_206 : memref<1x1x64xf32, #tpu.memory_space<hbm>> -> memref<1x64xf32, #tpu.memory_space<hbm>>
      %dma_start3A_208 = arith.constant 0 : i32
      %dma_start3A_209 = tpu.memref_slice %arg10[%add3A_202, %dma_start3A_208] : memref<256x64xf32, #tpu.memory_space<vmem>> -> memref<1x64xf32, #tpu.memory_space<vmem>>
      %dma_start3A_210 = arith.constant 0 : i32
      %dma_start3A_211 = tpu.memref_slice %arg4[%shift_right_arithmetic3A_196, %and3A_198, %dma_start3A_210] : memref<125000x8x64xf32, #tpu.memory_space<hbm>> -> memref<1x1x64xf32, #tpu.memory_space<hbm>>
      %dma_start3A_212 = tpu.memref_squeeze %dma_start3A_211 : memref<1x1x64xf32, #tpu.memory_space<hbm>> -> memref<1x64xf32, #tpu.memory_space<hbm>>
      tpu.enqueue_dma source(%dma_start3A_212 : memref<1x64xf32, #tpu.memory_space<hbm>>) target(%dma_start3A_209 : memref<1x64xf32, #tpu.memory_space<vmem>>) target_semaphore(%arg12 : memref<!tpu.dma_semaphore, #tpu.memory_space<semaphore_mem>>)
      %slice3A_213 = vector.extract_strided_slice %get3A_61 {offsets = [4], sizes = [1], strides = [1]} : vector<16xi32> to vector<1xi32>
      %squeeze3A_214 = vector.extract %slice3A_213[0] : i32 from vector<1xi32>
      %mul3A_215 = arith.constant 16 : i32
      %mul3A_216 = arith.muli %scan3A_47, %mul3A_215 : i32
      %add3A_217 = arith.constant 4 : i32
      %add3A_218 = arith.addi %mul3A_216, %add3A_217 : i32
      %dma_start3A_219 = arith.constant 0 : i32
      %dma_start3A_220 = tpu.memref_slice %arg11[%add3A_218, %dma_start3A_219] : memref<256x64xf32, #tpu.memory_space<vmem>> -> memref<1x64xf32, #tpu.memory_space<vmem>>
      %dma_start3A_221 = arith.constant 0 : i32
      %dma_start3A_222 = tpu.memref_slice %arg5[%squeeze3A_214, %dma_start3A_221] : memref<100000x64xf32, #tpu.memory_space<hbm>> -> memref<1x64xf32, #tpu.memory_space<hbm>>
      %dma_start3A_223 = arith.constant 0 : i32
      %dma_start3A_224 = tpu.memref_slice %arg11[%add3A_218, %dma_start3A_223] : memref<256x64xf32, #tpu.memory_space<vmem>> -> memref<1x64xf32, #tpu.memory_space<vmem>>
      %dma_start3A_225 = arith.constant 0 : i32
      %dma_start3A_226 = tpu.memref_slice %arg5[%squeeze3A_214, %dma_start3A_225] : memref<100000x64xf32, #tpu.memory_space<hbm>> -> memref<1x64xf32, #tpu.memory_space<hbm>>
      tpu.enqueue_dma source(%dma_start3A_226 : memref<1x64xf32, #tpu.memory_space<hbm>>) target(%dma_start3A_224 : memref<1x64xf32, #tpu.memory_space<vmem>>) target_semaphore(%arg13 : memref<!tpu.dma_semaphore, #tpu.memory_space<semaphore_mem>>)
      %slice3A_227 = vector.extract_strided_slice %get3A_54 {offsets = [5], sizes = [1], strides = [1]} : vector<16xi32> to vector<1xi32>
      %squeeze3A_228 = vector.extract %slice3A_227[0] : i32 from vector<1xi32>
      %shift_right_arithmetic3A_229 = arith.constant 3 : i32
      %shift_right_arithmetic3A_230 = arith.shrsi %squeeze3A_228, %shift_right_arithmetic3A_229 : i32
      %and3A_231 = arith.constant 7 : i32
      %and3A_232 = arith.andi %squeeze3A_228, %and3A_231 : i32
      %mul3A_233 = arith.constant 16 : i32
      %mul3A_234 = arith.muli %scan3A_47, %mul3A_233 : i32
      %add3A_235 = arith.constant 5 : i32
      %add3A_236 = arith.addi %mul3A_234, %add3A_235 : i32
      %dma_start3A_237 = arith.constant 0 : i32
      %dma_start3A_238 = tpu.memref_slice %arg10[%add3A_236, %dma_start3A_237] : memref<256x64xf32, #tpu.memory_space<vmem>> -> memref<1x64xf32, #tpu.memory_space<vmem>>
      %dma_start3A_239 = arith.constant 0 : i32
      %dma_start3A_240 = tpu.memref_slice %arg4[%shift_right_arithmetic3A_230, %and3A_232, %dma_start3A_239] : memref<125000x8x64xf32, #tpu.memory_space<hbm>> -> memref<1x1x64xf32, #tpu.memory_space<hbm>>
      %dma_start3A_241 = tpu.memref_squeeze %dma_start3A_240 : memref<1x1x64xf32, #tpu.memory_space<hbm>> -> memref<1x64xf32, #tpu.memory_space<hbm>>
      %dma_start3A_242 = arith.constant 0 : i32
      %dma_start3A_243 = tpu.memref_slice %arg10[%add3A_236, %dma_start3A_242] : memref<256x64xf32, #tpu.memory_space<vmem>> -> memref<1x64xf32, #tpu.memory_space<vmem>>
      %dma_start3A_244 = arith.constant 0 : i32
      %dma_start3A_245 = tpu.memref_slice %arg4[%shift_right_arithmetic3A_230, %and3A_232, %dma_start3A_244] : memref<125000x8x64xf32, #tpu.memory_space<hbm>> -> memref<1x1x64xf32, #tpu.memory_space<hbm>>
      %dma_start3A_246 = tpu.memref_squeeze %dma_start3A_245 : memref<1x1x64xf32, #tpu.memory_space<hbm>> -> memref<1x64xf32, #tpu.memory_space<hbm>>
      tpu.enqueue_dma source(%dma_start3A_246 : memref<1x64xf32, #tpu.memory_space<hbm>>) target(%dma_start3A_243 : memref<1x64xf32, #tpu.memory_space<vmem>>) target_semaphore(%arg12 : memref<!tpu.dma_semaphore, #tpu.memory_space<semaphore_mem>>)
      %slice3A_247 = vector.extract_strided_slice %get3A_61 {offsets = [5], sizes = [1], strides = [1]} : vector<16xi32> to vector<1xi32>
      %squeeze3A_248 = vector.extract %slice3A_247[0] : i32 from vector<1xi32>
      %mul3A_249 = arith.constant 16 : i32
      %mul3A_250 = arith.muli %scan3A_47, %mul3A_249 : i32
      %add3A_251 = arith.constant 5 : i32
      %add3A_252 = arith.addi %mul3A_250, %add3A_251 : i32
      %dma_start3A_253 = arith.constant 0 : i32
      %dma_start3A_254 = tpu.memref_slice %arg11[%add3A_252, %dma_start3A_253] : memref<256x64xf32, #tpu.memory_space<vmem>> -> memref<1x64xf32, #tpu.memory_space<vmem>>
      %dma_start3A_255 = arith.constant 0 : i32
      %dma_start3A_256 = tpu.memref_slice %arg5[%squeeze3A_248, %dma_start3A_255] : memref<100000x64xf32, #tpu.memory_space<hbm>> -> memref<1x64xf32, #tpu.memory_space<hbm>>
      %dma_start3A_257 = arith.constant 0 : i32
      %dma_start3A_258 = tpu.memref_slice %arg11[%add3A_252, %dma_start3A_257] : memref<256x64xf32, #tpu.memory_space<vmem>> -> memref<1x64xf32, #tpu.memory_space<vmem>>
      %dma_start3A_259 = arith.constant 0 : i32
      %dma_start3A_260 = tpu.memref_slice %arg5[%squeeze3A_248, %dma_start3A_259] : memref<100000x64xf32, #tpu.memory_space<hbm>> -> memref<1x64xf32, #tpu.memory_space<hbm>>
      tpu.enqueue_dma source(%dma_start3A_260 : memref<1x64xf32, #tpu.memory_space<hbm>>) target(%dma_start3A_258 : memref<1x64xf32, #tpu.memory_space<vmem>>) target_semaphore(%arg13 : memref<!tpu.dma_semaphore, #tpu.memory_space<semaphore_mem>>)
      %slice3A_261 = vector.extract_strided_slice %get3A_54 {offsets = [6], sizes = [1], strides = [1]} : vector<16xi32> to vector<1xi32>
      %squeeze3A_262 = vector.extract %slice3A_261[0] : i32 from vector<1xi32>
      %shift_right_arithmetic3A_263 = arith.constant 3 : i32
      %shift_right_arithmetic3A_264 = arith.shrsi %squeeze3A_262, %shift_right_arithmetic3A_263 : i32
      %and3A_265 = arith.constant 7 : i32
      %and3A_266 = arith.andi %squeeze3A_262, %and3A_265 : i32
      %mul3A_267 = arith.constant 16 : i32
      %mul3A_268 = arith.muli %scan3A_47, %mul3A_267 : i32
      %add3A_269 = arith.constant 6 : i32
      %add3A_270 = arith.addi %mul3A_268, %add3A_269 : i32
      %dma_start3A_271 = arith.constant 0 : i32
      %dma_start3A_272 = tpu.memref_slice %arg10[%add3A_270, %dma_start3A_271] : memref<256x64xf32, #tpu.memory_space<vmem>> -> memref<1x64xf32, #tpu.memory_space<vmem>>
      %dma_start3A_273 = arith.constant 0 : i32
      %dma_start3A_274 = tpu.memref_slice %arg4[%shift_right_arithmetic3A_264, %and3A_266, %dma_start3A_273] : memref<125000x8x64xf32, #tpu.memory_space<hbm>> -> memref<1x1x64xf32, #tpu.memory_space<hbm>>
      %dma_start3A_275 = tpu.memref_squeeze %dma_start3A_274 : memref<1x1x64xf32, #tpu.memory_space<hbm>> -> memref<1x64xf32, #tpu.memory_space<hbm>>
      %dma_start3A_276 = arith.constant 0 : i32
      %dma_start3A_277 = tpu.memref_slice %arg10[%add3A_270, %dma_start3A_276] : memref<256x64xf32, #tpu.memory_space<vmem>> -> memref<1x64xf32, #tpu.memory_space<vmem>>
      %dma_start3A_278 = arith.constant 0 : i32
      %dma_start3A_279 = tpu.memref_slice %arg4[%shift_right_arithmetic3A_264, %and3A_266, %dma_start3A_278] : memref<125000x8x64xf32, #tpu.memory_space<hbm>> -> memref<1x1x64xf32, #tpu.memory_space<hbm>>
      %dma_start3A_280 = tpu.memref_squeeze %dma_start3A_279 : memref<1x1x64xf32, #tpu.memory_space<hbm>> -> memref<1x64xf32, #tpu.memory_space<hbm>>
      tpu.enqueue_dma source(%dma_start3A_280 : memref<1x64xf32, #tpu.memory_space<hbm>>) target(%dma_start3A_277 : memref<1x64xf32, #tpu.memory_space<vmem>>) target_semaphore(%arg12 : memref<!tpu.dma_semaphore, #tpu.memory_space<semaphore_mem>>)
      %slice3A_281 = vector.extract_strided_slice %get3A_61 {offsets = [6], sizes = [1], strides = [1]} : vector<16xi32> to vector<1xi32>
      %squeeze3A_282 = vector.extract %slice3A_281[0] : i32 from vector<1xi32>
      %mul3A_283 = arith.constant 16 : i32
      %mul3A_284 = arith.muli %scan3A_47, %mul3A_283 : i32
      %add3A_285 = arith.constant 6 : i32
      %add3A_286 = arith.addi %mul3A_284, %add3A_285 : i32
      %dma_start3A_287 = arith.constant 0 : i32
      %dma_start3A_288 = tpu.memref_slice %arg11[%add3A_286, %dma_start3A_287] : memref<256x64xf32, #tpu.memory_space<vmem>> -> memref<1x64xf32, #tpu.memory_space<vmem>>
      %dma_start3A_289 = arith.constant 0 : i32
      %dma_start3A_290 = tpu.memref_slice %arg5[%squeeze3A_282, %dma_start3A_289] : memref<100000x64xf32, #tpu.memory_space<hbm>> -> memref<1x64xf32, #tpu.memory_space<hbm>>
      %dma_start3A_291 = arith.constant 0 : i32
      %dma_start3A_292 = tpu.memref_slice %arg11[%add3A_286, %dma_start3A_291] : memref<256x64xf32, #tpu.memory_space<vmem>> -> memref<1x64xf32, #tpu.memory_space<vmem>>
      %dma_start3A_293 = arith.constant 0 : i32
      %dma_start3A_294 = tpu.memref_slice %arg5[%squeeze3A_282, %dma_start3A_293] : memref<100000x64xf32, #tpu.memory_space<hbm>> -> memref<1x64xf32, #tpu.memory_space<hbm>>
      tpu.enqueue_dma source(%dma_start3A_294 : memref<1x64xf32, #tpu.memory_space<hbm>>) target(%dma_start3A_292 : memref<1x64xf32, #tpu.memory_space<vmem>>) target_semaphore(%arg13 : memref<!tpu.dma_semaphore, #tpu.memory_space<semaphore_mem>>)
      %slice3A_295 = vector.extract_strided_slice %get3A_54 {offsets = [7], sizes = [1], strides = [1]} : vector<16xi32> to vector<1xi32>
      %squeeze3A_296 = vector.extract %slice3A_295[0] : i32 from vector<1xi32>
      %shift_right_arithmetic3A_297 = arith.constant 3 : i32
      %shift_right_arithmetic3A_298 = arith.shrsi %squeeze3A_296, %shift_right_arithmetic3A_297 : i32
      %and3A_299 = arith.constant 7 : i32
      %and3A_300 = arith.andi %squeeze3A_296, %and3A_299 : i32
      %mul3A_301 = arith.constant 16 : i32
      %mul3A_302 = arith.muli %scan3A_47, %mul3A_301 : i32
      %add3A_303 = arith.constant 7 : i32
      %add3A_304 = arith.addi %mul3A_302, %add3A_303 : i32
      %dma_start3A_305 = arith.constant 0 : i32
      %dma_start3A_306 = tpu.memref_slice %arg10[%add3A_304, %dma_start3A_305] : memref<256x64xf32, #tpu.memory_space<vmem>> -> memref<1x64xf32, #tpu.memory_space<vmem>>
      %dma_start3A_307 = arith.constant 0 : i32
      %dma_start3A_308 = tpu.memref_slice %arg4[%shift_right_arithmetic3A_298, %and3A_300, %dma_start3A_307] : memref<125000x8x64xf32, #tpu.memory_space<hbm>> -> memref<1x1x64xf32, #tpu.memory_space<hbm>>
      %dma_start3A_309 = tpu.memref_squeeze %dma_start3A_308 : memref<1x1x64xf32, #tpu.memory_space<hbm>> -> memref<1x64xf32, #tpu.memory_space<hbm>>
      %dma_start3A_310 = arith.constant 0 : i32
      %dma_start3A_311 = tpu.memref_slice %arg10[%add3A_304, %dma_start3A_310] : memref<256x64xf32, #tpu.memory_space<vmem>> -> memref<1x64xf32, #tpu.memory_space<vmem>>
      %dma_start3A_312 = arith.constant 0 : i32
      %dma_start3A_313 = tpu.memref_slice %arg4[%shift_right_arithmetic3A_298, %and3A_300, %dma_start3A_312] : memref<125000x8x64xf32, #tpu.memory_space<hbm>> -> memref<1x1x64xf32, #tpu.memory_space<hbm>>
      %dma_start3A_314 = tpu.memref_squeeze %dma_start3A_313 : memref<1x1x64xf32, #tpu.memory_space<hbm>> -> memref<1x64xf32, #tpu.memory_space<hbm>>
      tpu.enqueue_dma source(%dma_start3A_314 : memref<1x64xf32, #tpu.memory_space<hbm>>) target(%dma_start3A_311 : memref<1x64xf32, #tpu.memory_space<vmem>>) target_semaphore(%arg12 : memref<!tpu.dma_semaphore, #tpu.memory_space<semaphore_mem>>)
      %slice3A_315 = vector.extract_strided_slice %get3A_61 {offsets = [7], sizes = [1], strides = [1]} : vector<16xi32> to vector<1xi32>
      %squeeze3A_316 = vector.extract %slice3A_315[0] : i32 from vector<1xi32>
      %mul3A_317 = arith.constant 16 : i32
      %mul3A_318 = arith.muli %scan3A_47, %mul3A_317 : i32
      %add3A_319 = arith.constant 7 : i32
      %add3A_320 = arith.addi %mul3A_318, %add3A_319 : i32
      %dma_start3A_321 = arith.constant 0 : i32
      %dma_start3A_322 = tpu.memref_slice %arg11[%add3A_320, %dma_start3A_321] : memref<256x64xf32, #tpu.memory_space<vmem>> -> memref<1x64xf32, #tpu.memory_space<vmem>>
      %dma_start3A_323 = arith.constant 0 : i32
      %dma_start3A_324 = tpu.memref_slice %arg5[%squeeze3A_316, %dma_start3A_323] : memref<100000x64xf32, #tpu.memory_space<hbm>> -> memref<1x64xf32, #tpu.memory_space<hbm>>
      %dma_start3A_325 = arith.constant 0 : i32
      %dma_start3A_326 = tpu.memref_slice %arg11[%add3A_320, %dma_start3A_325] : memref<256x64xf32, #tpu.memory_space<vmem>> -> memref<1x64xf32, #tpu.memory_space<vmem>>
      %dma_start3A_327 = arith.constant 0 : i32
      %dma_start3A_328 = tpu.memref_slice %arg5[%squeeze3A_316, %dma_start3A_327] : memref<100000x64xf32, #tpu.memory_space<hbm>> -> memref<1x64xf32, #tpu.memory_space<hbm>>
      tpu.enqueue_dma source(%dma_start3A_328 : memref<1x64xf32, #tpu.memory_space<hbm>>) target(%dma_start3A_326 : memref<1x64xf32, #tpu.memory_space<vmem>>) target_semaphore(%arg13 : memref<!tpu.dma_semaphore, #tpu.memory_space<semaphore_mem>>)
      %slice3A_329 = vector.extract_strided_slice %get3A_54 {offsets = [8], sizes = [1], strides = [1]} : vector<16xi32> to vector<1xi32>
      %squeeze3A_330 = vector.extract %slice3A_329[0] : i32 from vector<1xi32>
      %shift_right_arithmetic3A_331 = arith.constant 3 : i32
      %shift_right_arithmetic3A_332 = arith.shrsi %squeeze3A_330, %shift_right_arithmetic3A_331 : i32
      %and3A_333 = arith.constant 7 : i32
      %and3A_334 = arith.andi %squeeze3A_330, %and3A_333 : i32
      %mul3A_335 = arith.constant 16 : i32
      %mul3A_336 = arith.muli %scan3A_47, %mul3A_335 : i32
      %add3A_337 = arith.constant 8 : i32
      %add3A_338 = arith.addi %mul3A_336, %add3A_337 : i32
      %dma_start3A_339 = arith.constant 0 : i32
      %dma_start3A_340 = tpu.memref_slice %arg10[%add3A_338, %dma_start3A_339] : memref<256x64xf32, #tpu.memory_space<vmem>> -> memref<1x64xf32, #tpu.memory_space<vmem>>
      %dma_start3A_341 = arith.constant 0 : i32
      %dma_start3A_342 = tpu.memref_slice %arg4[%shift_right_arithmetic3A_332, %and3A_334, %dma_start3A_341] : memref<125000x8x64xf32, #tpu.memory_space<hbm>> -> memref<1x1x64xf32, #tpu.memory_space<hbm>>
      %dma_start3A_343 = tpu.memref_squeeze %dma_start3A_342 : memref<1x1x64xf32, #tpu.memory_space<hbm>> -> memref<1x64xf32, #tpu.memory_space<hbm>>
      %dma_start3A_344 = arith.constant 0 : i32
      %dma_start3A_345 = tpu.memref_slice %arg10[%add3A_338, %dma_start3A_344] : memref<256x64xf32, #tpu.memory_space<vmem>> -> memref<1x64xf32, #tpu.memory_space<vmem>>
      %dma_start3A_346 = arith.constant 0 : i32
      %dma_start3A_347 = tpu.memref_slice %arg4[%shift_right_arithmetic3A_332, %and3A_334, %dma_start3A_346] : memref<125000x8x64xf32, #tpu.memory_space<hbm>> -> memref<1x1x64xf32, #tpu.memory_space<hbm>>
      %dma_start3A_348 = tpu.memref_squeeze %dma_start3A_347 : memref<1x1x64xf32, #tpu.memory_space<hbm>> -> memref<1x64xf32, #tpu.memory_space<hbm>>
      tpu.enqueue_dma source(%dma_start3A_348 : memref<1x64xf32, #tpu.memory_space<hbm>>) target(%dma_start3A_345 : memref<1x64xf32, #tpu.memory_space<vmem>>) target_semaphore(%arg12 : memref<!tpu.dma_semaphore, #tpu.memory_space<semaphore_mem>>)
      %slice3A_349 = vector.extract_strided_slice %get3A_61 {offsets = [8], sizes = [1], strides = [1]} : vector<16xi32> to vector<1xi32>
      %squeeze3A_350 = vector.extract %slice3A_349[0] : i32 from vector<1xi32>
      %mul3A_351 = arith.constant 16 : i32
      %mul3A_352 = arith.muli %scan3A_47, %mul3A_351 : i32
      %add3A_353 = arith.constant 8 : i32
      %add3A_354 = arith.addi %mul3A_352, %add3A_353 : i32
      %dma_start3A_355 = arith.constant 0 : i32
      %dma_start3A_356 = tpu.memref_slice %arg11[%add3A_354, %dma_start3A_355] : memref<256x64xf32, #tpu.memory_space<vmem>> -> memref<1x64xf32, #tpu.memory_space<vmem>>
      %dma_start3A_357 = arith.constant 0 : i32
      %dma_start3A_358 = tpu.memref_slice %arg5[%squeeze3A_350, %dma_start3A_357] : memref<100000x64xf32, #tpu.memory_space<hbm>> -> memref<1x64xf32, #tpu.memory_space<hbm>>
      %dma_start3A_359 = arith.constant 0 : i32
      %dma_start3A_360 = tpu.memref_slice %arg11[%add3A_354, %dma_start3A_359] : memref<256x64xf32, #tpu.memory_space<vmem>> -> memref<1x64xf32, #tpu.memory_space<vmem>>
      %dma_start3A_361 = arith.constant 0 : i32
      %dma_start3A_362 = tpu.memref_slice %arg5[%squeeze3A_350, %dma_start3A_361] : memref<100000x64xf32, #tpu.memory_space<hbm>> -> memref<1x64xf32, #tpu.memory_space<hbm>>
      tpu.enqueue_dma source(%dma_start3A_362 : memref<1x64xf32, #tpu.memory_space<hbm>>) target(%dma_start3A_360 : memref<1x64xf32, #tpu.memory_space<vmem>>) target_semaphore(%arg13 : memref<!tpu.dma_semaphore, #tpu.memory_space<semaphore_mem>>)
      %slice3A_363 = vector.extract_strided_slice %get3A_54 {offsets = [9], sizes = [1], strides = [1]} : vector<16xi32> to vector<1xi32>
      %squeeze3A_364 = vector.extract %slice3A_363[0] : i32 from vector<1xi32>
      %shift_right_arithmetic3A_365 = arith.constant 3 : i32
      %shift_right_arithmetic3A_366 = arith.shrsi %squeeze3A_364, %shift_right_arithmetic3A_365 : i32
      %and3A_367 = arith.constant 7 : i32
      %and3A_368 = arith.andi %squeeze3A_364, %and3A_367 : i32
      %mul3A_369 = arith.constant 16 : i32
      %mul3A_370 = arith.muli %scan3A_47, %mul3A_369 : i32
      %add3A_371 = arith.constant 9 : i32
      %add3A_372 = arith.addi %mul3A_370, %add3A_371 : i32
      %dma_start3A_373 = arith.constant 0 : i32
      %dma_start3A_374 = tpu.memref_slice %arg10[%add3A_372, %dma_start3A_373] : memref<256x64xf32, #tpu.memory_space<vmem>> -> memref<1x64xf32, #tpu.memory_space<vmem>>
      %dma_start3A_375 = arith.constant 0 : i32
      %dma_start3A_376 = tpu.memref_slice %arg4[%shift_right_arithmetic3A_366, %and3A_368, %dma_start3A_375] : memref<125000x8x64xf32, #tpu.memory_space<hbm>> -> memref<1x1x64xf32, #tpu.memory_space<hbm>>
      %dma_start3A_377 = tpu.memref_squeeze %dma_start3A_376 : memref<1x1x64xf32, #tpu.memory_space<hbm>> -> memref<1x64xf32, #tpu.memory_space<hbm>>
      %dma_start3A_378 = arith.constant 0 : i32
      %dma_start3A_379 = tpu.memref_slice %arg10[%add3A_372, %dma_start3A_378] : memref<256x64xf32, #tpu.memory_space<vmem>> -> memref<1x64xf32, #tpu.memory_space<vmem>>
      %dma_start3A_380 = arith.constant 0 : i32
      %dma_start3A_381 = tpu.memref_slice %arg4[%shift_right_arithmetic3A_366, %and3A_368, %dma_start3A_380] : memref<125000x8x64xf32, #tpu.memory_space<hbm>> -> memref<1x1x64xf32, #tpu.memory_space<hbm>>
      %dma_start3A_382 = tpu.memref_squeeze %dma_start3A_381 : memref<1x1x64xf32, #tpu.memory_space<hbm>> -> memref<1x64xf32, #tpu.memory_space<hbm>>
      tpu.enqueue_dma source(%dma_start3A_382 : memref<1x64xf32, #tpu.memory_space<hbm>>) target(%dma_start3A_379 : memref<1x64xf32, #tpu.memory_space<vmem>>) target_semaphore(%arg12 : memref<!tpu.dma_semaphore, #tpu.memory_space<semaphore_mem>>)
      %slice3A_383 = vector.extract_strided_slice %get3A_61 {offsets = [9], sizes = [1], strides = [1]} : vector<16xi32> to vector<1xi32>
      %squeeze3A_384 = vector.extract %slice3A_383[0] : i32 from vector<1xi32>
      %mul3A_385 = arith.constant 16 : i32
      %mul3A_386 = arith.muli %scan3A_47, %mul3A_385 : i32
      %add3A_387 = arith.constant 9 : i32
      %add3A_388 = arith.addi %mul3A_386, %add3A_387 : i32
      %dma_start3A_389 = arith.constant 0 : i32
      %dma_start3A_390 = tpu.memref_slice %arg11[%add3A_388, %dma_start3A_389] : memref<256x64xf32, #tpu.memory_space<vmem>> -> memref<1x64xf32, #tpu.memory_space<vmem>>
      %dma_start3A_391 = arith.constant 0 : i32
      %dma_start3A_392 = tpu.memref_slice %arg5[%squeeze3A_384, %dma_start3A_391] : memref<100000x64xf32, #tpu.memory_space<hbm>> -> memref<1x64xf32, #tpu.memory_space<hbm>>
      %dma_start3A_393 = arith.constant 0 : i32
      %dma_start3A_394 = tpu.memref_slice %arg11[%add3A_388, %dma_start3A_393] : memref<256x64xf32, #tpu.memory_space<vmem>> -> memref<1x64xf32, #tpu.memory_space<vmem>>
      %dma_start3A_395 = arith.constant 0 : i32
      %dma_start3A_396 = tpu.memref_slice %arg5[%squeeze3A_384, %dma_start3A_395] : memref<100000x64xf32, #tpu.memory_space<hbm>> -> memref<1x64xf32, #tpu.memory_space<hbm>>
      tpu.enqueue_dma source(%dma_start3A_396 : memref<1x64xf32, #tpu.memory_space<hbm>>) target(%dma_start3A_394 : memref<1x64xf32, #tpu.memory_space<vmem>>) target_semaphore(%arg13 : memref<!tpu.dma_semaphore, #tpu.memory_space<semaphore_mem>>)
      %slice3A_397 = vector.extract_strided_slice %get3A_54 {offsets = [10], sizes = [1], strides = [1]} : vector<16xi32> to vector<1xi32>
      %squeeze3A_398 = vector.extract %slice3A_397[0] : i32 from vector<1xi32>
      %shift_right_arithmetic3A_399 = arith.constant 3 : i32
      %shift_right_arithmetic3A_400 = arith.shrsi %squeeze3A_398, %shift_right_arithmetic3A_399 : i32
      %and3A_401 = arith.constant 7 : i32
      %and3A_402 = arith.andi %squeeze3A_398, %and3A_401 : i32
      %mul3A_403 = arith.constant 16 : i32
      %mul3A_404 = arith.muli %scan3A_47, %mul3A_403 : i32
      %add3A_405 = arith.constant 10 : i32
      %add3A_406 = arith.addi %mul3A_404, %add3A_405 : i32
      %dma_start3A_407 = arith.constant 0 : i32
      %dma_start3A_408 = tpu.memref_slice %arg10[%add3A_406, %dma_start3A_407] : memref<256x64xf32, #tpu.memory_space<vmem>> -> memref<1x64xf32, #tpu.memory_space<vmem>>
      %dma_start3A_409 = arith.constant 0 : i32
      %dma_start3A_410 = tpu.memref_slice %arg4[%shift_right_arithmetic3A_400, %and3A_402, %dma_start3A_409] : memref<125000x8x64xf32, #tpu.memory_space<hbm>> -> memref<1x1x64xf32, #tpu.memory_space<hbm>>
      %dma_start3A_411 = tpu.memref_squeeze %dma_start3A_410 : memref<1x1x64xf32, #tpu.memory_space<hbm>> -> memref<1x64xf32, #tpu.memory_space<hbm>>
      %dma_start3A_412 = arith.constant 0 : i32
      %dma_start3A_413 = tpu.memref_slice %arg10[%add3A_406, %dma_start3A_412] : memref<256x64xf32, #tpu.memory_space<vmem>> -> memref<1x64xf32, #tpu.memory_space<vmem>>
      %dma_start3A_414 = arith.constant 0 : i32
      %dma_start3A_415 = tpu.memref_slice %arg4[%shift_right_arithmetic3A_400, %and3A_402, %dma_start3A_414] : memref<125000x8x64xf32, #tpu.memory_space<hbm>> -> memref<1x1x64xf32, #tpu.memory_space<hbm>>
      %dma_start3A_416 = tpu.memref_squeeze %dma_start3A_415 : memref<1x1x64xf32, #tpu.memory_space<hbm>> -> memref<1x64xf32, #tpu.memory_space<hbm>>
      tpu.enqueue_dma source(%dma_start3A_416 : memref<1x64xf32, #tpu.memory_space<hbm>>) target(%dma_start3A_413 : memref<1x64xf32, #tpu.memory_space<vmem>>) target_semaphore(%arg12 : memref<!tpu.dma_semaphore, #tpu.memory_space<semaphore_mem>>)
      %slice3A_417 = vector.extract_strided_slice %get3A_61 {offsets = [10], sizes = [1], strides = [1]} : vector<16xi32> to vector<1xi32>
      %squeeze3A_418 = vector.extract %slice3A_417[0] : i32 from vector<1xi32>
      %mul3A_419 = arith.constant 16 : i32
      %mul3A_420 = arith.muli %scan3A_47, %mul3A_419 : i32
      %add3A_421 = arith.constant 10 : i32
      %add3A_422 = arith.addi %mul3A_420, %add3A_421 : i32
      %dma_start3A_423 = arith.constant 0 : i32
      %dma_start3A_424 = tpu.memref_slice %arg11[%add3A_422, %dma_start3A_423] : memref<256x64xf32, #tpu.memory_space<vmem>> -> memref<1x64xf32, #tpu.memory_space<vmem>>
      %dma_start3A_425 = arith.constant 0 : i32
      %dma_start3A_426 = tpu.memref_slice %arg5[%squeeze3A_418, %dma_start3A_425] : memref<100000x64xf32, #tpu.memory_space<hbm>> -> memref<1x64xf32, #tpu.memory_space<hbm>>
      %dma_start3A_427 = arith.constant 0 : i32
      %dma_start3A_428 = tpu.memref_slice %arg11[%add3A_422, %dma_start3A_427] : memref<256x64xf32, #tpu.memory_space<vmem>> -> memref<1x64xf32, #tpu.memory_space<vmem>>
      %dma_start3A_429 = arith.constant 0 : i32
      %dma_start3A_430 = tpu.memref_slice %arg5[%squeeze3A_418, %dma_start3A_429] : memref<100000x64xf32, #tpu.memory_space<hbm>> -> memref<1x64xf32, #tpu.memory_space<hbm>>
      tpu.enqueue_dma source(%dma_start3A_430 : memref<1x64xf32, #tpu.memory_space<hbm>>) target(%dma_start3A_428 : memref<1x64xf32, #tpu.memory_space<vmem>>) target_semaphore(%arg13 : memref<!tpu.dma_semaphore, #tpu.memory_space<semaphore_mem>>)
      %slice3A_431 = vector.extract_strided_slice %get3A_54 {offsets = [11], sizes = [1], strides = [1]} : vector<16xi32> to vector<1xi32>
      %squeeze3A_432 = vector.extract %slice3A_431[0] : i32 from vector<1xi32>
      %shift_right_arithmetic3A_433 = arith.constant 3 : i32
      %shift_right_arithmetic3A_434 = arith.shrsi %squeeze3A_432, %shift_right_arithmetic3A_433 : i32
      %and3A_435 = arith.constant 7 : i32
      %and3A_436 = arith.andi %squeeze3A_432, %and3A_435 : i32
      %mul3A_437 = arith.constant 16 : i32
      %mul3A_438 = arith.muli %scan3A_47, %mul3A_437 : i32
      %add3A_439 = arith.constant 11 : i32
      %add3A_440 = arith.addi %mul3A_438, %add3A_439 : i32
      %dma_start3A_441 = arith.constant 0 : i32
      %dma_start3A_442 = tpu.memref_slice %arg10[%add3A_440, %dma_start3A_441] : memref<256x64xf32, #tpu.memory_space<vmem>> -> memref<1x64xf32, #tpu.memory_space<vmem>>
      %dma_start3A_443 = arith.constant 0 : i32
      %dma_start3A_444 = tpu.memref_slice %arg4[%shift_right_arithmetic3A_434, %and3A_436, %dma_start3A_443] : memref<125000x8x64xf32, #tpu.memory_space<hbm>> -> memref<1x1x64xf32, #tpu.memory_space<hbm>>
      %dma_start3A_445 = tpu.memref_squeeze %dma_start3A_444 : memref<1x1x64xf32, #tpu.memory_space<hbm>> -> memref<1x64xf32, #tpu.memory_space<hbm>>
      %dma_start3A_446 = arith.constant 0 : i32
      %dma_start3A_447 = tpu.memref_slice %arg10[%add3A_440, %dma_start3A_446] : memref<256x64xf32, #tpu.memory_space<vmem>> -> memref<1x64xf32, #tpu.memory_space<vmem>>
      %dma_start3A_448 = arith.constant 0 : i32
      %dma_start3A_449 = tpu.memref_slice %arg4[%shift_right_arithmetic3A_434, %and3A_436, %dma_start3A_448] : memref<125000x8x64xf32, #tpu.memory_space<hbm>> -> memref<1x1x64xf32, #tpu.memory_space<hbm>>
      %dma_start3A_450 = tpu.memref_squeeze %dma_start3A_449 : memref<1x1x64xf32, #tpu.memory_space<hbm>> -> memref<1x64xf32, #tpu.memory_space<hbm>>
      tpu.enqueue_dma source(%dma_start3A_450 : memref<1x64xf32, #tpu.memory_space<hbm>>) target(%dma_start3A_447 : memref<1x64xf32, #tpu.memory_space<vmem>>) target_semaphore(%arg12 : memref<!tpu.dma_semaphore, #tpu.memory_space<semaphore_mem>>)
      %slice3A_451 = vector.extract_strided_slice %get3A_61 {offsets = [11], sizes = [1], strides = [1]} : vector<16xi32> to vector<1xi32>
      %squeeze3A_452 = vector.extract %slice3A_451[0] : i32 from vector<1xi32>
      %mul3A_453 = arith.constant 16 : i32
      %mul3A_454 = arith.muli %scan3A_47, %mul3A_453 : i32
      %add3A_455 = arith.constant 11 : i32
      %add3A_456 = arith.addi %mul3A_454, %add3A_455 : i32
      %dma_start3A_457 = arith.constant 0 : i32
      %dma_start3A_458 = tpu.memref_slice %arg11[%add3A_456, %dma_start3A_457] : memref<256x64xf32, #tpu.memory_space<vmem>> -> memref<1x64xf32, #tpu.memory_space<vmem>>
      %dma_start3A_459 = arith.constant 0 : i32
      %dma_start3A_460 = tpu.memref_slice %arg5[%squeeze3A_452, %dma_start3A_459] : memref<100000x64xf32, #tpu.memory_space<hbm>> -> memref<1x64xf32, #tpu.memory_space<hbm>>
      %dma_start3A_461 = arith.constant 0 : i32
      %dma_start3A_462 = tpu.memref_slice %arg11[%add3A_456, %dma_start3A_461] : memref<256x64xf32, #tpu.memory_space<vmem>> -> memref<1x64xf32, #tpu.memory_space<vmem>>
      %dma_start3A_463 = arith.constant 0 : i32
      %dma_start3A_464 = tpu.memref_slice %arg5[%squeeze3A_452, %dma_start3A_463] : memref<100000x64xf32, #tpu.memory_space<hbm>> -> memref<1x64xf32, #tpu.memory_space<hbm>>
      tpu.enqueue_dma source(%dma_start3A_464 : memref<1x64xf32, #tpu.memory_space<hbm>>) target(%dma_start3A_462 : memref<1x64xf32, #tpu.memory_space<vmem>>) target_semaphore(%arg13 : memref<!tpu.dma_semaphore, #tpu.memory_space<semaphore_mem>>)
      %slice3A_465 = vector.extract_strided_slice %get3A_54 {offsets = [12], sizes = [1], strides = [1]} : vector<16xi32> to vector<1xi32>
      %squeeze3A_466 = vector.extract %slice3A_465[0] : i32 from vector<1xi32>
      %shift_right_arithmetic3A_467 = arith.constant 3 : i32
      %shift_right_arithmetic3A_468 = arith.shrsi %squeeze3A_466, %shift_right_arithmetic3A_467 : i32
      %and3A_469 = arith.constant 7 : i32
      %and3A_470 = arith.andi %squeeze3A_466, %and3A_469 : i32
      %mul3A_471 = arith.constant 16 : i32
      %mul3A_472 = arith.muli %scan3A_47, %mul3A_471 : i32
      %add3A_473 = arith.constant 12 : i32
      %add3A_474 = arith.addi %mul3A_472, %add3A_473 : i32
      %dma_start3A_475 = arith.constant 0 : i32
      %dma_start3A_476 = tpu.memref_slice %arg10[%add3A_474, %dma_start3A_475] : memref<256x64xf32, #tpu.memory_space<vmem>> -> memref<1x64xf32, #tpu.memory_space<vmem>>
      %dma_start3A_477 = arith.constant 0 : i32
      %dma_start3A_478 = tpu.memref_slice %arg4[%shift_right_arithmetic3A_468, %and3A_470, %dma_start3A_477] : memref<125000x8x64xf32, #tpu.memory_space<hbm>> -> memref<1x1x64xf32, #tpu.memory_space<hbm>>
      %dma_start3A_479 = tpu.memref_squeeze %dma_start3A_478 : memref<1x1x64xf32, #tpu.memory_space<hbm>> -> memref<1x64xf32, #tpu.memory_space<hbm>>
      %dma_start3A_480 = arith.constant 0 : i32
      %dma_start3A_481 = tpu.memref_slice %arg10[%add3A_474, %dma_start3A_480] : memref<256x64xf32, #tpu.memory_space<vmem>> -> memref<1x64xf32, #tpu.memory_space<vmem>>
      %dma_start3A_482 = arith.constant 0 : i32
      %dma_start3A_483 = tpu.memref_slice %arg4[%shift_right_arithmetic3A_468, %and3A_470, %dma_start3A_482] : memref<125000x8x64xf32, #tpu.memory_space<hbm>> -> memref<1x1x64xf32, #tpu.memory_space<hbm>>
      %dma_start3A_484 = tpu.memref_squeeze %dma_start3A_483 : memref<1x1x64xf32, #tpu.memory_space<hbm>> -> memref<1x64xf32, #tpu.memory_space<hbm>>
      tpu.enqueue_dma source(%dma_start3A_484 : memref<1x64xf32, #tpu.memory_space<hbm>>) target(%dma_start3A_481 : memref<1x64xf32, #tpu.memory_space<vmem>>) target_semaphore(%arg12 : memref<!tpu.dma_semaphore, #tpu.memory_space<semaphore_mem>>)
      %slice3A_485 = vector.extract_strided_slice %get3A_61 {offsets = [12], sizes = [1], strides = [1]} : vector<16xi32> to vector<1xi32>
      %squeeze3A_486 = vector.extract %slice3A_485[0] : i32 from vector<1xi32>
      %mul3A_487 = arith.constant 16 : i32
      %mul3A_488 = arith.muli %scan3A_47, %mul3A_487 : i32
      %add3A_489 = arith.constant 12 : i32
      %add3A_490 = arith.addi %mul3A_488, %add3A_489 : i32
      %dma_start3A_491 = arith.constant 0 : i32
      %dma_start3A_492 = tpu.memref_slice %arg11[%add3A_490, %dma_start3A_491] : memref<256x64xf32, #tpu.memory_space<vmem>> -> memref<1x64xf32, #tpu.memory_space<vmem>>
      %dma_start3A_493 = arith.constant 0 : i32
      %dma_start3A_494 = tpu.memref_slice %arg5[%squeeze3A_486, %dma_start3A_493] : memref<100000x64xf32, #tpu.memory_space<hbm>> -> memref<1x64xf32, #tpu.memory_space<hbm>>
      %dma_start3A_495 = arith.constant 0 : i32
      %dma_start3A_496 = tpu.memref_slice %arg11[%add3A_490, %dma_start3A_495] : memref<256x64xf32, #tpu.memory_space<vmem>> -> memref<1x64xf32, #tpu.memory_space<vmem>>
      %dma_start3A_497 = arith.constant 0 : i32
      %dma_start3A_498 = tpu.memref_slice %arg5[%squeeze3A_486, %dma_start3A_497] : memref<100000x64xf32, #tpu.memory_space<hbm>> -> memref<1x64xf32, #tpu.memory_space<hbm>>
      tpu.enqueue_dma source(%dma_start3A_498 : memref<1x64xf32, #tpu.memory_space<hbm>>) target(%dma_start3A_496 : memref<1x64xf32, #tpu.memory_space<vmem>>) target_semaphore(%arg13 : memref<!tpu.dma_semaphore, #tpu.memory_space<semaphore_mem>>)
      %slice3A_499 = vector.extract_strided_slice %get3A_54 {offsets = [13], sizes = [1], strides = [1]} : vector<16xi32> to vector<1xi32>
      %squeeze3A_500 = vector.extract %slice3A_499[0] : i32 from vector<1xi32>
      %shift_right_arithmetic3A_501 = arith.constant 3 : i32
      %shift_right_arithmetic3A_502 = arith.shrsi %squeeze3A_500, %shift_right_arithmetic3A_501 : i32
      %and3A_503 = arith.constant 7 : i32
      %and3A_504 = arith.andi %squeeze3A_500, %and3A_503 : i32
      %mul3A_505 = arith.constant 16 : i32
      %mul3A_506 = arith.muli %scan3A_47, %mul3A_505 : i32
      %add3A_507 = arith.constant 13 : i32
      %add3A_508 = arith.addi %mul3A_506, %add3A_507 : i32
      %dma_start3A_509 = arith.constant 0 : i32
      %dma_start3A_510 = tpu.memref_slice %arg10[%add3A_508, %dma_start3A_509] : memref<256x64xf32, #tpu.memory_space<vmem>> -> memref<1x64xf32, #tpu.memory_space<vmem>>
      %dma_start3A_511 = arith.constant 0 : i32
      %dma_start3A_512 = tpu.memref_slice %arg4[%shift_right_arithmetic3A_502, %and3A_504, %dma_start3A_511] : memref<125000x8x64xf32, #tpu.memory_space<hbm>> -> memref<1x1x64xf32, #tpu.memory_space<hbm>>
      %dma_start3A_513 = tpu.memref_squeeze %dma_start3A_512 : memref<1x1x64xf32, #tpu.memory_space<hbm>> -> memref<1x64xf32, #tpu.memory_space<hbm>>
      %dma_start3A_514 = arith.constant 0 : i32
      %dma_start3A_515 = tpu.memref_slice %arg10[%add3A_508, %dma_start3A_514] : memref<256x64xf32, #tpu.memory_space<vmem>> -> memref<1x64xf32, #tpu.memory_space<vmem>>
      %dma_start3A_516 = arith.constant 0 : i32
      %dma_start3A_517 = tpu.memref_slice %arg4[%shift_right_arithmetic3A_502, %and3A_504, %dma_start3A_516] : memref<125000x8x64xf32, #tpu.memory_space<hbm>> -> memref<1x1x64xf32, #tpu.memory_space<hbm>>
      %dma_start3A_518 = tpu.memref_squeeze %dma_start3A_517 : memref<1x1x64xf32, #tpu.memory_space<hbm>> -> memref<1x64xf32, #tpu.memory_space<hbm>>
      tpu.enqueue_dma source(%dma_start3A_518 : memref<1x64xf32, #tpu.memory_space<hbm>>) target(%dma_start3A_515 : memref<1x64xf32, #tpu.memory_space<vmem>>) target_semaphore(%arg12 : memref<!tpu.dma_semaphore, #tpu.memory_space<semaphore_mem>>)
      %slice3A_519 = vector.extract_strided_slice %get3A_61 {offsets = [13], sizes = [1], strides = [1]} : vector<16xi32> to vector<1xi32>
      %squeeze3A_520 = vector.extract %slice3A_519[0] : i32 from vector<1xi32>
      %mul3A_521 = arith.constant 16 : i32
      %mul3A_522 = arith.muli %scan3A_47, %mul3A_521 : i32
      %add3A_523 = arith.constant 13 : i32
      %add3A_524 = arith.addi %mul3A_522, %add3A_523 : i32
      %dma_start3A_525 = arith.constant 0 : i32
      %dma_start3A_526 = tpu.memref_slice %arg11[%add3A_524, %dma_start3A_525] : memref<256x64xf32, #tpu.memory_space<vmem>> -> memref<1x64xf32, #tpu.memory_space<vmem>>
      %dma_start3A_527 = arith.constant 0 : i32
      %dma_start3A_528 = tpu.memref_slice %arg5[%squeeze3A_520, %dma_start3A_527] : memref<100000x64xf32, #tpu.memory_space<hbm>> -> memref<1x64xf32, #tpu.memory_space<hbm>>
      %dma_start3A_529 = arith.constant 0 : i32
      %dma_start3A_530 = tpu.memref_slice %arg11[%add3A_524, %dma_start3A_529] : memref<256x64xf32, #tpu.memory_space<vmem>> -> memref<1x64xf32, #tpu.memory_space<vmem>>
      %dma_start3A_531 = arith.constant 0 : i32
      %dma_start3A_532 = tpu.memref_slice %arg5[%squeeze3A_520, %dma_start3A_531] : memref<100000x64xf32, #tpu.memory_space<hbm>> -> memref<1x64xf32, #tpu.memory_space<hbm>>
      tpu.enqueue_dma source(%dma_start3A_532 : memref<1x64xf32, #tpu.memory_space<hbm>>) target(%dma_start3A_530 : memref<1x64xf32, #tpu.memory_space<vmem>>) target_semaphore(%arg13 : memref<!tpu.dma_semaphore, #tpu.memory_space<semaphore_mem>>)
      %slice3A_533 = vector.extract_strided_slice %get3A_54 {offsets = [14], sizes = [1], strides = [1]} : vector<16xi32> to vector<1xi32>
      %squeeze3A_534 = vector.extract %slice3A_533[0] : i32 from vector<1xi32>
      %shift_right_arithmetic3A_535 = arith.constant 3 : i32
      %shift_right_arithmetic3A_536 = arith.shrsi %squeeze3A_534, %shift_right_arithmetic3A_535 : i32
      %and3A_537 = arith.constant 7 : i32
      %and3A_538 = arith.andi %squeeze3A_534, %and3A_537 : i32
      %mul3A_539 = arith.constant 16 : i32
      %mul3A_540 = arith.muli %scan3A_47, %mul3A_539 : i32
      %add3A_541 = arith.constant 14 : i32
      %add3A_542 = arith.addi %mul3A_540, %add3A_541 : i32
      %dma_start3A_543 = arith.constant 0 : i32
      %dma_start3A_544 = tpu.memref_slice %arg10[%add3A_542, %dma_start3A_543] : memref<256x64xf32, #tpu.memory_space<vmem>> -> memref<1x64xf32, #tpu.memory_space<vmem>>
      %dma_start3A_545 = arith.constant 0 : i32
      %dma_start3A_546 = tpu.memref_slice %arg4[%shift_right_arithmetic3A_536, %and3A_538, %dma_start3A_545] : memref<125000x8x64xf32, #tpu.memory_space<hbm>> -> memref<1x1x64xf32, #tpu.memory_space<hbm>>
      %dma_start3A_547 = tpu.memref_squeeze %dma_start3A_546 : memref<1x1x64xf32, #tpu.memory_space<hbm>> -> memref<1x64xf32, #tpu.memory_space<hbm>>
      %dma_start3A_548 = arith.constant 0 : i32
      %dma_start3A_549 = tpu.memref_slice %arg10[%add3A_542, %dma_start3A_548] : memref<256x64xf32, #tpu.memory_space<vmem>> -> memref<1x64xf32, #tpu.memory_space<vmem>>
      %dma_start3A_550 = arith.constant 0 : i32
      %dma_start3A_551 = tpu.memref_slice %arg4[%shift_right_arithmetic3A_536, %and3A_538, %dma_start3A_550] : memref<125000x8x64xf32, #tpu.memory_space<hbm>> -> memref<1x1x64xf32, #tpu.memory_space<hbm>>
      %dma_start3A_552 = tpu.memref_squeeze %dma_start3A_551 : memref<1x1x64xf32, #tpu.memory_space<hbm>> -> memref<1x64xf32, #tpu.memory_space<hbm>>
      tpu.enqueue_dma source(%dma_start3A_552 : memref<1x64xf32, #tpu.memory_space<hbm>>) target(%dma_start3A_549 : memref<1x64xf32, #tpu.memory_space<vmem>>) target_semaphore(%arg12 : memref<!tpu.dma_semaphore, #tpu.memory_space<semaphore_mem>>)
      %slice3A_553 = vector.extract_strided_slice %get3A_61 {offsets = [14], sizes = [1], strides = [1]} : vector<16xi32> to vector<1xi32>
      %squeeze3A_554 = vector.extract %slice3A_553[0] : i32 from vector<1xi32>
      %mul3A_555 = arith.constant 16 : i32
      %mul3A_556 = arith.muli %scan3A_47, %mul3A_555 : i32
      %add3A_557 = arith.constant 14 : i32
      %add3A_558 = arith.addi %mul3A_556, %add3A_557 : i32
      %dma_start3A_559 = arith.constant 0 : i32
      %dma_start3A_560 = tpu.memref_slice %arg11[%add3A_558, %dma_start3A_559] : memref<256x64xf32, #tpu.memory_space<vmem>> -> memref<1x64xf32, #tpu.memory_space<vmem>>
      %dma_start3A_561 = arith.constant 0 : i32
      %dma_start3A_562 = tpu.memref_slice %arg5[%squeeze3A_554, %dma_start3A_561] : memref<100000x64xf32, #tpu.memory_space<hbm>> -> memref<1x64xf32, #tpu.memory_space<hbm>>
      %dma_start3A_563 = arith.constant 0 : i32
      %dma_start3A_564 = tpu.memref_slice %arg11[%add3A_558, %dma_start3A_563] : memref<256x64xf32, #tpu.memory_space<vmem>> -> memref<1x64xf32, #tpu.memory_space<vmem>>
      %dma_start3A_565 = arith.constant 0 : i32
      %dma_start3A_566 = tpu.memref_slice %arg5[%squeeze3A_554, %dma_start3A_565] : memref<100000x64xf32, #tpu.memory_space<hbm>> -> memref<1x64xf32, #tpu.memory_space<hbm>>
      tpu.enqueue_dma source(%dma_start3A_566 : memref<1x64xf32, #tpu.memory_space<hbm>>) target(%dma_start3A_564 : memref<1x64xf32, #tpu.memory_space<vmem>>) target_semaphore(%arg13 : memref<!tpu.dma_semaphore, #tpu.memory_space<semaphore_mem>>)
      %slice3A_567 = vector.extract_strided_slice %get3A_54 {offsets = [15], sizes = [1], strides = [1]} : vector<16xi32> to vector<1xi32>
      %squeeze3A_568 = vector.extract %slice3A_567[0] : i32 from vector<1xi32>
      %shift_right_arithmetic3A_569 = arith.constant 3 : i32
      %shift_right_arithmetic3A_570 = arith.shrsi %squeeze3A_568, %shift_right_arithmetic3A_569 : i32
      %and3A_571 = arith.constant 7 : i32
      %and3A_572 = arith.andi %squeeze3A_568, %and3A_571 : i32
      %mul3A_573 = arith.constant 16 : i32
      %mul3A_574 = arith.muli %scan3A_47, %mul3A_573 : i32
      %add3A_575 = arith.constant 15 : i32
      %add3A_576 = arith.addi %mul3A_574, %add3A_575 : i32
      %dma_start3A_577 = arith.constant 0 : i32
      %dma_start3A_578 = tpu.memref_slice %arg10[%add3A_576, %dma_start3A_577] : memref<256x64xf32, #tpu.memory_space<vmem>> -> memref<1x64xf32, #tpu.memory_space<vmem>>
      %dma_start3A_579 = arith.constant 0 : i32
      %dma_start3A_580 = tpu.memref_slice %arg4[%shift_right_arithmetic3A_570, %and3A_572, %dma_start3A_579] : memref<125000x8x64xf32, #tpu.memory_space<hbm>> -> memref<1x1x64xf32, #tpu.memory_space<hbm>>
      %dma_start3A_581 = tpu.memref_squeeze %dma_start3A_580 : memref<1x1x64xf32, #tpu.memory_space<hbm>> -> memref<1x64xf32, #tpu.memory_space<hbm>>
      %dma_start3A_582 = arith.constant 0 : i32
      %dma_start3A_583 = tpu.memref_slice %arg10[%add3A_576, %dma_start3A_582] : memref<256x64xf32, #tpu.memory_space<vmem>> -> memref<1x64xf32, #tpu.memory_space<vmem>>
      %dma_start3A_584 = arith.constant 0 : i32
      %dma_start3A_585 = tpu.memref_slice %arg4[%shift_right_arithmetic3A_570, %and3A_572, %dma_start3A_584] : memref<125000x8x64xf32, #tpu.memory_space<hbm>> -> memref<1x1x64xf32, #tpu.memory_space<hbm>>
      %dma_start3A_586 = tpu.memref_squeeze %dma_start3A_585 : memref<1x1x64xf32, #tpu.memory_space<hbm>> -> memref<1x64xf32, #tpu.memory_space<hbm>>
      tpu.enqueue_dma source(%dma_start3A_586 : memref<1x64xf32, #tpu.memory_space<hbm>>) target(%dma_start3A_583 : memref<1x64xf32, #tpu.memory_space<vmem>>) target_semaphore(%arg12 : memref<!tpu.dma_semaphore, #tpu.memory_space<semaphore_mem>>)
      %slice3A_587 = vector.extract_strided_slice %get3A_61 {offsets = [15], sizes = [1], strides = [1]} : vector<16xi32> to vector<1xi32>
      %squeeze3A_588 = vector.extract %slice3A_587[0] : i32 from vector<1xi32>
      %mul3A_589 = arith.constant 16 : i32
      %mul3A_590 = arith.muli %scan3A_47, %mul3A_589 : i32
      %add3A_591 = arith.constant 15 : i32
      %add3A_592 = arith.addi %mul3A_590, %add3A_591 : i32
      %dma_start3A_593 = arith.constant 0 : i32
      %dma_start3A_594 = tpu.memref_slice %arg11[%add3A_592, %dma_start3A_593] : memref<256x64xf32, #tpu.memory_space<vmem>> -> memref<1x64xf32, #tpu.memory_space<vmem>>
      %dma_start3A_595 = arith.constant 0 : i32
      %dma_start3A_596 = tpu.memref_slice %arg5[%squeeze3A_588, %dma_start3A_595] : memref<100000x64xf32, #tpu.memory_space<hbm>> -> memref<1x64xf32, #tpu.memory_space<hbm>>
      %dma_start3A_597 = arith.constant 0 : i32
      %dma_start3A_598 = tpu.memref_slice %arg11[%add3A_592, %dma_start3A_597] : memref<256x64xf32, #tpu.memory_space<vmem>> -> memref<1x64xf32, #tpu.memory_space<vmem>>
      %dma_start3A_599 = arith.constant 0 : i32
      %dma_start3A_600 = tpu.memref_slice %arg5[%squeeze3A_588, %dma_start3A_599] : memref<100000x64xf32, #tpu.memory_space<hbm>> -> memref<1x64xf32, #tpu.memory_space<hbm>>
      tpu.enqueue_dma source(%dma_start3A_600 : memref<1x64xf32, #tpu.memory_space<hbm>>) target(%dma_start3A_598 : memref<1x64xf32, #tpu.memory_space<vmem>>) target_semaphore(%arg13 : memref<!tpu.dma_semaphore, #tpu.memory_space<semaphore_mem>>)
      %scan3A_601 = arith.constant 0 : i32
      scf.yield %scan3A_601 : i32
    }
    %scan3A_30 = arith.constant 16 : i32
    %dma_wait3A_31 = arith.constant 0 : i32
    %dma_wait3A_32 = arith.constant 0 : i32
    %dma_wait3A_33 = tpu.memref_slice %arg5[%dma_wait3A_31, %dma_wait3A_32] : memref<100000x64xf32, #tpu.memory_space<hbm>> -> memref<256x64xf32, #tpu.memory_space<hbm>>
    %dma_wait3A_34 = arith.constant 0 : i32
    %dma_wait3A_35 = arith.constant 0 : i32
    %dma_wait3A_36 = tpu.memref_slice %arg5[%dma_wait3A_34, %dma_wait3A_35] : memref<100000x64xf32, #tpu.memory_space<hbm>> -> memref<256x64xf32, #tpu.memory_space<hbm>>
    tpu.wait_dma2 semaphore(%arg12 : memref<!tpu.dma_semaphore, #tpu.memory_space<semaphore_mem>>) src(%dma_wait3A_36 : memref<256x64xf32, #tpu.memory_space<hbm>>) dst(%arg10 : memref<256x64xf32, #tpu.memory_space<vmem>>)
    %dma_wait3A_37 = arith.constant 0 : i32
    %dma_wait3A_38 = arith.constant 0 : i32
    %dma_wait3A_39 = tpu.memref_slice %arg5[%dma_wait3A_37, %dma_wait3A_38] : memref<100000x64xf32, #tpu.memory_space<hbm>> -> memref<256x64xf32, #tpu.memory_space<hbm>>
    %dma_wait3A_40 = arith.constant 0 : i32
    %dma_wait3A_41 = arith.constant 0 : i32
    %dma_wait3A_42 = tpu.memref_slice %arg5[%dma_wait3A_40, %dma_wait3A_41] : memref<100000x64xf32, #tpu.memory_space<hbm>> -> memref<256x64xf32, #tpu.memory_space<hbm>>
    tpu.wait_dma2 semaphore(%arg13 : memref<!tpu.dma_semaphore, #tpu.memory_space<semaphore_mem>>) src(%dma_wait3A_42 : memref<256x64xf32, #tpu.memory_space<hbm>>) dst(%arg11 : memref<256x64xf32, #tpu.memory_space<vmem>>)
    %add3A_43 = arith.constant 256 : i32
    %add3A_44 = arith.addi %mul3A_2, %add3A_43 : i32
    "tpu.region"() ({
      %run_scoped3A = tpu.sem_alloc : memref<!tpu.dma_semaphore, #tpu.memory_space<semaphore_mem>>
      %dma_start3A = arith.constant 0 : i32
      %dma_start3A_47 = tpu.memref_slice %arg6[%add3A_44, %dma_start3A] : memref<16384x64xf32, #tpu.memory_space<hbm>> -> memref<256x64xf32, #tpu.memory_space<hbm>>
      %dma_start3A_48 = arith.constant 0 : i32
      %dma_start3A_49 = tpu.memref_slice %arg6[%add3A_44, %dma_start3A_48] : memref<16384x64xf32, #tpu.memory_space<hbm>> -> memref<256x64xf32, #tpu.memory_space<hbm>>
      tpu.enqueue_dma source(%arg10 : memref<256x64xf32, #tpu.memory_space<vmem>>) target(%dma_start3A_49 : memref<256x64xf32, #tpu.memory_space<hbm>>) target_semaphore(%run_scoped3A : memref<!tpu.dma_semaphore, #tpu.memory_space<semaphore_mem>>)
      %dma_wait3A_50 = arith.constant 0 : i32
      %dma_wait3A_51 = tpu.memref_slice %arg6[%add3A_44, %dma_wait3A_50] : memref<16384x64xf32, #tpu.memory_space<hbm>> -> memref<256x64xf32, #tpu.memory_space<hbm>>
      %dma_wait3A_52 = arith.constant 0 : i32
      %dma_wait3A_53 = tpu.memref_slice %arg6[%add3A_44, %dma_wait3A_52] : memref<16384x64xf32, #tpu.memory_space<hbm>> -> memref<256x64xf32, #tpu.memory_space<hbm>>
      tpu.wait_dma2 semaphore(%run_scoped3A : memref<!tpu.dma_semaphore, #tpu.memory_space<semaphore_mem>>) src(%arg10 : memref<256x64xf32, #tpu.memory_space<vmem>>) dst(%dma_wait3A_53 : memref<256x64xf32, #tpu.memory_space<hbm>>)
      tpu.yield
    }) : () -> ()
    %add3A_45 = arith.constant 256 : i32
    %add3A_46 = arith.addi %mul3A_2, %add3A_45 : i32
    "tpu.region"() ({
      %run_scoped3A = tpu.sem_alloc : memref<!tpu.dma_semaphore, #tpu.memory_space<semaphore_mem>>
      %dma_start3A = arith.constant 0 : i32
      %dma_start3A_47 = tpu.memref_slice %arg7[%add3A_46, %dma_start3A] : memref<16384x64xf32, #tpu.memory_space<hbm>> -> memref<256x64xf32, #tpu.memory_space<hbm>>
      %dma_start3A_48 = arith.constant 0 : i32
      %dma_start3A_49 = tpu.memref_slice %arg7[%add3A_46, %dma_start3A_48] : memref<16384x64xf32, #tpu.memory_space<hbm>> -> memref<256x64xf32, #tpu.memory_space<hbm>>
      tpu.enqueue_dma source(%arg11 : memref<256x64xf32, #tpu.memory_space<vmem>>) target(%dma_start3A_49 : memref<256x64xf32, #tpu.memory_space<hbm>>) target_semaphore(%run_scoped3A : memref<!tpu.dma_semaphore, #tpu.memory_space<semaphore_mem>>)
      %dma_wait3A_50 = arith.constant 0 : i32
      %dma_wait3A_51 = tpu.memref_slice %arg7[%add3A_46, %dma_wait3A_50] : memref<16384x64xf32, #tpu.memory_space<hbm>> -> memref<256x64xf32, #tpu.memory_space<hbm>>
      %dma_wait3A_52 = arith.constant 0 : i32
      %dma_wait3A_53 = tpu.memref_slice %arg7[%add3A_46, %dma_wait3A_52] : memref<16384x64xf32, #tpu.memory_space<hbm>> -> memref<256x64xf32, #tpu.memory_space<hbm>>
      tpu.wait_dma2 semaphore(%run_scoped3A : memref<!tpu.dma_semaphore, #tpu.memory_space<semaphore_mem>>) src(%arg11 : memref<256x64xf32, #tpu.memory_space<vmem>>) dst(%dma_wait3A_53 : memref<256x64xf32, #tpu.memory_space<hbm>>)
      tpu.yield
    }) : () -> ()
    return
  }
}

module attributes {stable_mosaic.version = 14 : i64} {
  func.func @_mlp_body(%arg0: i32, %arg1: memref<8192x64xf32, #tpu.memory_space<vmem>>, %arg2: memref<8192x64xf32, #tpu.memory_space<vmem>>, %arg3: memref<64x128xbf16, #tpu.memory_space<vmem>>, %arg4: memref<64x128xbf16, #tpu.memory_space<vmem>>, %arg5: memref<1x128xf32, #tpu.memory_space<vmem>>, %arg6: memref<128x64xbf16, #tpu.memory_space<vmem>>, %arg7: memref<1x64xf32, #tpu.memory_space<vmem>>, %arg8: memref<1x64xf32, #tpu.memory_space<vmem>>, %arg9: memref<1x1xf32, #tpu.memory_space<vmem>>, %arg10: memref<8192xf32, #tpu.memory_space<vmem>>) attributes {dimension_semantics = [#tpu.dimension_semantics<arbitrary>], iteration_bounds = array<i64: 2>, scalar_prefetch = 0 : i64, scratch_operands = 0 : i64, tpu.core_type = #tpu.core_type<tc>, window_params = [{transform_indices = @transform_0, window_bounds = array<i64: 8192, 64>}, {transform_indices = @transform_1, window_bounds = array<i64: 8192, 64>}, {pipeline_mode = #tpu.pipeline_mode<synchronous>, transform_indices = @transform_2, window_bounds = array<i64: 64, 128>}, {pipeline_mode = #tpu.pipeline_mode<synchronous>, transform_indices = @transform_3, window_bounds = array<i64: 64, 128>}, {pipeline_mode = #tpu.pipeline_mode<synchronous>, transform_indices = @transform_4, window_bounds = array<i64: 1, 128>}, {pipeline_mode = #tpu.pipeline_mode<synchronous>, transform_indices = @transform_5, window_bounds = array<i64: 128, 64>}, {pipeline_mode = #tpu.pipeline_mode<synchronous>, transform_indices = @transform_6, window_bounds = array<i64: 1, 64>}, {pipeline_mode = #tpu.pipeline_mode<synchronous>, transform_indices = @transform_7, window_bounds = array<i64: 1, 64>}, {pipeline_mode = #tpu.pipeline_mode<synchronous>, transform_indices = @transform_8, window_bounds = array<i64: 1, 1>}, {transform_indices = @transform_9, window_bounds = array<i64: 8192>}]} {
    %get3A = arith.constant 0 : index
    %get3A_0 = arith.constant 0 : index
    %get3A_1 = vector.load %arg1[%get3A, %get3A_0] : memref<8192x64xf32, #tpu.memory_space<vmem>>, vector<8192x64xf32>
    %convert_element_type3A = arith.truncf %get3A_1 : vector<8192x64xf32> to vector<8192x64xbf16>
    %get3A_2 = arith.constant 0 : index
    %get3A_3 = arith.constant 0 : index
    %get3A_4 = vector.load %arg2[%get3A_2, %get3A_3] : memref<8192x64xf32, #tpu.memory_space<vmem>>, vector<8192x64xf32>
    %convert_element_type3A_5 = arith.truncf %get3A_4 : vector<8192x64xf32> to vector<8192x64xbf16>
    %get3A_6 = arith.constant 0 : index
    %get3A_7 = arith.constant 0 : index
    %get3A_8 = vector.load %arg3[%get3A_6, %get3A_7] : memref<64x128xbf16, #tpu.memory_space<vmem>>, vector<64x128xbf16>
    %dot_general3A = arith.constant dense<0.000000e+00> : vector<8192x128xf32>
    %dot_general3A_9 = tpu.matmul %convert_element_type3A, %get3A_8, %dot_general3A {dimension_numbers = #tpu.dot_dimension_numbers<[1], [0], [0], [1], [0, 0, 1, 1], [], []>, transpose_lhs_hint = false} : vector<8192x64xbf16>, vector<64x128xbf16>, vector<8192x128xf32> -> vector<8192x128xf32>
    %get3A_10 = arith.constant 0 : index
    %get3A_11 = arith.constant 0 : index
    %get3A_12 = vector.load %arg4[%get3A_10, %get3A_11] : memref<64x128xbf16, #tpu.memory_space<vmem>>, vector<64x128xbf16>
    %dot_general3A_13 = arith.constant dense<0.000000e+00> : vector<8192x128xf32>
    %dot_general3A_14 = tpu.matmul %convert_element_type3A_5, %get3A_12, %dot_general3A_13 {dimension_numbers = #tpu.dot_dimension_numbers<[1], [0], [0], [1], [0, 0, 1, 1], [], []>, transpose_lhs_hint = false} : vector<8192x64xbf16>, vector<64x128xbf16>, vector<8192x128xf32> -> vector<8192x128xf32>
    %add3A = arith.addf %dot_general3A_9, %dot_general3A_14 : vector<8192x128xf32>
    %get3A_15 = arith.constant 0 : index
    %get3A_16 = arith.constant 0 : index
    %get3A_17 = vector.load %arg5[%get3A_15, %get3A_16] : memref<1x128xf32, #tpu.memory_space<vmem>>, vector<1x128xf32>
    %add3A_18 = vector.broadcast %get3A_17 : vector<1x128xf32> to vector<8192x128xf32>
    %add3A_19 = arith.addf %add3A, %add3A_18 : vector<8192x128xf32>
    %max3A = arith.constant 0.000000e+00 : f32
    %max3A_20 = vector.broadcast %max3A : f32 to vector<8192x128xf32>
    %max3A_21 = arith.maximumf %add3A_19, %max3A_20 : vector<8192x128xf32>
    %convert_element_type3A_22 = arith.truncf %max3A_21 : vector<8192x128xf32> to vector<8192x128xbf16>
    %get3A_23 = arith.constant 0 : index
    %get3A_24 = arith.constant 0 : index
    %get3A_25 = vector.load %arg6[%get3A_23, %get3A_24] : memref<128x64xbf16, #tpu.memory_space<vmem>>, vector<128x64xbf16>
    %dot_general3A_26 = arith.constant dense<0.000000e+00> : vector<8192x64xf32>
    %dot_general3A_27 = tpu.matmul %convert_element_type3A_22, %get3A_25, %dot_general3A_26 {dimension_numbers = #tpu.dot_dimension_numbers<[1], [0], [0], [1], [0, 0, 1, 1], [], []>, transpose_lhs_hint = false} : vector<8192x128xbf16>, vector<128x64xbf16>, vector<8192x64xf32> -> vector<8192x64xf32>
    %get3A_28 = arith.constant 0 : index
    %get3A_29 = arith.constant 0 : index
    %get3A_30 = vector.load %arg7[%get3A_28, %get3A_29] : memref<1x64xf32, #tpu.memory_space<vmem>>, vector<1x64xf32>
    %add3A_31 = vector.broadcast %get3A_30 : vector<1x64xf32> to vector<8192x64xf32>
    %add3A_32 = arith.addf %dot_general3A_27, %add3A_31 : vector<8192x64xf32>
    %max3A_33 = arith.constant 0.000000e+00 : f32
    %max3A_34 = vector.broadcast %max3A_33 : f32 to vector<8192x64xf32>
    %max3A_35 = arith.maximumf %add3A_32, %max3A_34 : vector<8192x64xf32>
    %get3A_36 = arith.constant 0 : index
    %get3A_37 = arith.constant 0 : index
    %get3A_38 = vector.load %arg8[%get3A_36, %get3A_37] : memref<1x64xf32, #tpu.memory_space<vmem>>, vector<1x64xf32>
    %mul3A = vector.broadcast %get3A_38 : vector<1x64xf32> to vector<8192x64xf32>
    %mul3A_39 = arith.mulf %max3A_35, %mul3A : vector<8192x64xf32>
    %reduce_sum3A = arith.constant dense<0.000000e+00> : vector<8192xf32>
    %reduce_sum3A_40 = vector.multi_reduction <add>, %mul3A_39, %reduce_sum3A [1] : vector<8192x64xf32> to vector<8192xf32>
    %get3A_41 = arith.constant 0 : index
    %get3A_42 = arith.constant 0 : index
    %get3A_43 = vector.load %arg9[%get3A_41, %get3A_42] : memref<1x1xf32, #tpu.memory_space<vmem>>, vector<1x1xf32>
    %get3A_44 = vector.extract %get3A_43[0, 0] : f32 from vector<1x1xf32>
    %add3A_45 = vector.broadcast %get3A_44 : f32 to vector<8192xf32>
    %add3A_46 = arith.addf %reduce_sum3A_40, %add3A_45 : vector<8192xf32>
    %swap3A = arith.constant 0 : index
    %swap3A_47 = vector.load %arg10[%swap3A] : memref<8192xf32, #tpu.memory_space<vmem>>, vector<8192xf32>
    tpu.vector_store %arg10[%swap3A], %add3A_46 {strides = array<i32>} : memref<8192xf32, #tpu.memory_space<vmem>>, vector<8192xf32>,
    return
  }
  func.func @transform_0(%arg0: i32) -> (i32, i32) {
    %c0_i32 = arith.constant 0 : i32
    %c0_i32_0 = arith.constant 0 : i32
    return %arg0, %c0_i32 : i32, i32
  }
  func.func @transform_1(%arg0: i32) -> (i32, i32) {
    %c0_i32 = arith.constant 0 : i32
    %c0_i32_0 = arith.constant 0 : i32
    return %arg0, %c0_i32 : i32, i32
  }
  func.func @transform_2(%arg0: i32) -> (i32, i32) {
    %c0_i32 = arith.constant 0 : i32
    %c0_i32_0 = arith.constant 0 : i32
    %c0_i32_1 = arith.constant 0 : i32
    return %c0_i32, %c0_i32_0 : i32, i32
  }
  func.func @transform_3(%arg0: i32) -> (i32, i32) {
    %c0_i32 = arith.constant 0 : i32
    %c0_i32_0 = arith.constant 0 : i32
    %c0_i32_1 = arith.constant 0 : i32
    return %c0_i32, %c0_i32_0 : i32, i32
  }
  func.func @transform_4(%arg0: i32) -> (i32, i32) {
    %c0_i32 = arith.constant 0 : i32
    %c0_i32_0 = arith.constant 0 : i32
    %c0_i32_1 = arith.constant 0 : i32
    return %c0_i32, %c0_i32_0 : i32, i32
  }
  func.func @transform_5(%arg0: i32) -> (i32, i32) {
    %c0_i32 = arith.constant 0 : i32
    %c0_i32_0 = arith.constant 0 : i32
    %c0_i32_1 = arith.constant 0 : i32
    return %c0_i32, %c0_i32_0 : i32, i32
  }
  func.func @transform_6(%arg0: i32) -> (i32, i32) {
    %c0_i32 = arith.constant 0 : i32
    %c0_i32_0 = arith.constant 0 : i32
    %c0_i32_1 = arith.constant 0 : i32
    return %c0_i32, %c0_i32_0 : i32, i32
  }
  func.func @transform_7(%arg0: i32) -> (i32, i32) {
    %c0_i32 = arith.constant 0 : i32
    %c0_i32_0 = arith.constant 0 : i32
    %c0_i32_1 = arith.constant 0 : i32
    return %c0_i32, %c0_i32_0 : i32, i32
  }
  func.func @transform_8(%arg0: i32) -> (i32, i32) {
    %c0_i32 = arith.constant 0 : i32
    %c0_i32_0 = arith.constant 0 : i32
    %c0_i32_1 = arith.constant 0 : i32
    return %c0_i32, %c0_i32_0 : i32, i32
  }
  func.func @transform_9(%arg0: i32) -> i32 {
    %c0_i32 = arith.constant 0 : i32
    return %arg0 : i32
  }
}

</mosaic_0001>

<sc_bundles>
// kernel: kernel.4.cloned.1.call-start
scs
__scs_entry_jumppad:
0x0: {  	(pc) =	sbr.rel $0x88, $3  }
0x1: {  	(tag) =	ssettag $0x0;
	lr =	simm.s32 $0x1  }
0x2: {  	[smem:$0x3F97] =	sst lr;
	_ =	strace $0xD0000000  }
0x3: {  	_ = 	snop  }
0x4: {  	_ = 	snop  }
0x5: {  	_ = 	snop  }
0x6: {  	_ = 	snop  }
0x7: {  	_ = 	snop  }
__scs_overlays_trampoline_lowered:
0x8: {  	[smem:$0x3FA6] =	sst s0  }
0x9: {  	[smem:$0x3FA7] =	sst s1  }
0xa: {  	[smem:$0x3FA8] =	sst s2  }
0xb: {  	[smem:$0x3FA9] =	sst s3  }
0xc: {  	[smem:$0x3FAA] =	sst s4  }
0xd: {  	[smem:$0x3FAB] =	sst s5  }
0xe: {  	[smem:$0x3FAC] =	sst s6  }
0xf: {  	[smem:$0x3FAD] =	sst s7  }
0x10: {  	[smem:$0x3FAE] =	sst s8  }
0x11: {  	[smem:$0x3FAF] =	sst s9;
	s0 =	simm.s32 @!p0 $0x0  }
0x12: {  	s1 =	sld [smem:$0x3F95];
	s0 =	simm.s32 @p0 $0x1  }
0x13: {  	[smem:$0x3FB0] =	sst s0;
	s0 =	simm.s32 @!p1 $0x0  }
0x14: {  	s2 =	sld [smem:$0x3F94];
	s0 =	simm.s32 @p1 $0x1  }
0x15: {  	[smem:$0x3FB1] =	sst s0;
	s0 =	simm.s32 @!p2 $0x0  }
0x16: {  	s3 =	sld [smem:$0x3FDB];
	s0 =	simm.s32 @p2 $0x1  }
0x17: {  	s4 =	simm.s32 $0x1BF5;
	[smem:$0x3FB3] =	sst s0  }
0x18: {  	s0 =	sld [smem:$0x3F96];
	_ =	swait.ge [sflag:s4], $0x0  }
0x19: {  	s7 =	sld [smem:$0x3F97]  }
0x1a: {  	s8 =	sadd.s32 $0xFFFFE003, lr  }
0x1b: {  	s9 =	sadd.s32 $0xFFFFFEF7, lr;
	s5 =	simm.s32 $0xFFFFFFFF;
	p2 =	slt.u32 s8, $0xFFFFF086  }
0x1c: {  	p1 =	slt.u32 s9, $0xF7A;
	s5 =	simm.s32 @!p2 $0x0  }
0x1d: {  	s5 =	simm.s32 @p1 $0x1;
	p0 =	seq.s32 s7, s2  }
0x1e: {  	s7 =	smul.u32 @!p0 $0xF7A, s2;
	p2 =	seq.s32 @!p0 s5, $0x0  }
0x1f: {  	s9 =	smul.u32 $0xF7A, s1;
	s8 =	simm.s32 @!p0 $0x1BF5;
	p2 =	por !p2, p0  }
0x20: {  	[sflag:s8] =	ssyncset.s32 @!p0 $0xFFFFF086;
	s6 =	sadd.s32 @!p0 s3, s7;
	s7 =	simm.s32 @!p0 $0x108  }
0x21: {  	s3 =	sadd.s32 s3, s9;
	s6 =	sadd.s32 @!p0 $0x88, s6;
	s7 =	simm.s32 @p2 $0x1082  }
0x22: {  	[simem:s7], [sflag:s8] =	dma.local @!p0 [hbm:s6], $0xF7A  }
0x23: {  	s9 =	sor.u32 $0xD0000000, s2;
	s6 =	simm.s32 $0x108;
	_ =	swait.ge @!p0 [sflag:s8], $0x0  }
0x24: {  	s3 =	sadd.s32 $0x88, s3;
	s6 =	simm.s32 @!p1 $0x1082;
	[sflag:s4] =	ssyncset.s32 $0xFFFFF086  }
0x25: {  	[simem:s6], [sflag:s4] =	dma.local [hbm:s3], $0xF7A  }
0x26: {  	[smem:$0x3F97] =	sst s1;
	(tag) =	ssettag s2;
	_ =	strace s9  }
0x27: {  	s1 =	sld [smem:$0x3FA7]  }
0x28: {  	s2 =	sld [smem:$0x3FA8]  }
0x29: {  	s4 =	sld [smem:$0x3FAA]  }
0x2a: {  	p0 =	seq.s32 s5, $0x0;
	s5 =	sld [smem:$0x3FAB]  }
0x2b: {  	s6 =	sld [smem:$0x3FAC]  }
0x2c: {  	s7 =	sld [smem:$0x3FAD]  }
0x2d: {  	s3 =	simm.s32 $0x108;
	s8 =	sld [smem:$0x3FAE]  }
0x2e: {  	s3 =	simm.s32 @!p0 $0x1082;
	s9 =	sld [smem:$0x3FAF]  }
0x2f: {  	lr =	sadd.s32 s0, s3;
	s0 =	sld [smem:$0x3FA6]  }
0x30: {  	s3 =	sld [smem:$0x3FA9]  }
0x31: {  	[smem:$0x3FB2] =	sst s10  }
0x32: {  	s10 =	sld [smem:$0x3FB0];
	_ =	sdelay $0x3  }
0x33: {  	p0 =	seq.s32 s10, $0x1;
	s10 =	sld [smem:$0x3FB2];
	_ =	sdelay $0x3  }
0x34: {  	[smem:$0x3FB2] =	sst s10  }
0x35: {  	s10 =	sld [smem:$0x3FB1];
	_ =	sdelay $0x3  }
0x36: {  	p1 =	seq.s32 s10, $0x1;
	s10 =	sld [smem:$0x3FB2];
	_ =	sdelay $0x3  }
0x37: {  	[smem:$0x3FB2] =	sst s10  }
0x38: {  	s10 =	sld [smem:$0x3FB3]  }
0x39: {  	_ = 	snop;
	(pc) =	sbr.ind lr, $3  }
0x3a: {  	_ = 	snop  }
0x3b: {  	_ = 	snop  }
0x3c: {  	p2 =	seq.s32 s10, $0x1;
	s10 =	sld [smem:$0x3FB2]  }
0x3d: {  	_ =	shalt  }
0x3e: {  	_ =	shalt  }
0x3f: {  	_ =	shalt  }
0x40: {  	_ =	shalt  }
0x41: {  	_ =	shalt  }
0x42: {  	_ =	shalt  }
0x43: {  	_ =	shalt  }
0x44: {  	_ =	shalt  }
0x45: {  	_ =	shalt  }
0x46: {  	_ =	shalt  }
0x47: {  	_ =	shalt  }
0x48: {  	_ =	shalt  }
0x49: {  	_ =	shalt  }
0x4a: {  	_ =	shalt  }
0x4b: {  	_ =	shalt  }
0x4c: {  	_ =	shalt  }
0x4d: {  	_ =	shalt  }
0x4e: {  	_ =	shalt  }
0x4f: {  	_ =	shalt  }
0x50: {  	_ =	shalt  }
0x51: {  	_ =	shalt  }
0x52: {  	_ =	shalt  }
0x53: {  	_ =	shalt  }
0x54: {  	_ =	shalt  }
0x55: {  	_ =	shalt  }
0x56: {  	_ =	shalt  }
0x57: {  	_ =	shalt  }
0x58: {  	_ =	shalt  }
0x59: {  	_ =	shalt  }
0x5a: {  	_ =	shalt  }
0x5b: {  	_ =	shalt  }
0x5c: {  	_ =	shalt  }
0x5d: {  	_ =	shalt  }
0x5e: {  	_ =	shalt  }
0x5f: {  	_ =	shalt  }
0x60: {  	_ =	shalt  }
0x61: {  	_ =	shalt  }
0x62: {  	_ =	shalt  }
0x63: {  	_ =	shalt  }
0x64: {  	_ =	shalt  }
0x65: {  	_ =	shalt  }
0x66: {  	_ =	shalt  }
0x67: {  	_ =	shalt  }
0x68: {  	_ =	shalt  }
0x69: {  	_ =	shalt  }
0x6a: {  	_ =	shalt  }
0x6b: {  	_ =	shalt  }
0x6c: {  	_ =	shalt  }
0x6d: {  	_ =	shalt  }
0x6e: {  	_ =	shalt  }
0x6f: {  	_ =	shalt  }
0x70: {  	_ =	shalt  }
0x71: {  	_ =	shalt  }
0x72: {  	_ =	shalt  }
0x73: {  	_ =	shalt  }
0x74: {  	_ =	shalt  }
0x75: {  	_ =	shalt  }
0x76: {  	_ =	shalt  }
0x77: {  	_ =	shalt  }
0x78: {  	_ =	shalt  }
0x79: {  	_ =	shalt  }
0x7a: {  	_ =	shalt  }
0x7b: {  	_ =	shalt  }
0x7c: {  	_ =	shalt  }
0x7d: {  	_ =	shalt  }
0x7e: {  	_ =	shalt  }
0x7f: {  	_ =	shalt  }
0x80: {  	_ =	shalt  }
0x81: {  	_ =	shalt  }
0x82: {  	_ =	shalt  }
0x83: {  	_ =	shalt  }
0x84: {  	_ =	shalt  }
0x85: {  	_ =	shalt  }
0x86: {  	_ =	shalt  }
0x87: {  	_ =	shalt  }
.Lfunc_end0:
.L_simem_size_0:
called_computation_lowered:
.L_overlay_start_0:
0x88: {  	s2 =	sld [smem:$0x3FD9]  }
0x89: {  	s3 =	sld [smem:$0x3FFE];
	_ =	sdelay $0x1  }
0x8a: {  	s1 =	srdreg.scid  }
0x8b: {  	s0 =	sand.u32 $0x1, s1  }
0x8c: {  	s17 =	sshll.u32 s0, $0xA;
	s2 =	sadd.s32 s3, s2  }
0x8d: {  	s2 =	sadd.s32 s2, s17  }
0x8e: {  	[smem:$0x3FBE] =	sst s2  }
0x8f: {  	_ = 	snop  }
0x90: {  	s2 =	sld [smem:$0x3FC9]  }
0x91: {  	s18 =	sld [smem:$0x3FC8];
	(tm) =	ssettm $0x1  }
0x92: {  	s4 =	sld [smem:$0x3FFB];
	_ =	sdelay $0x3  }
0x93: {  	_ =	strace s4  }
0x94: {  	s4 =	sld [smem:$0x3FFC];
	_ =	sdelay $0x3  }
0x95: {  	_ =	strace s4  }
0x96: {  	s4 =	sld [smem:$0x3FFD];
	_ =	sdelay $0x3  }
0x97: {  	_ =	strace s4  }
0x98: {  	_ =	strace $0x8FFFFFFF  }
0x99: {  	s19 =	sld [smem:$0x3FDB];
	_ =	sdelay $0x1  }
0x9a: {  	s5 =	simm.s32 $_scs_section_size  }
0x9b: {  	s6 =	simm.s32 $_size__tile_overlayer_lowered;
	s7 =	simm.s32 $_tile_overlayer_lowered  }
0x9c: {  	s22 =	simm.s32 $0x1BFF;
	s21 =	sshll.u32 s7, $0x1;
	s4 =	sadd.s32 s5, s19  }
0x9d: {  	s8 =	simm.s32 $0x0;
	s20 =	sshll.u32 s6, $0x1;
	s6 =	sadd.s32 s21, s4  }
0x9e: {  	[timem:s8], [sflag:s22] =	dma.local [hbm:s6], s20  }
0x9f: {  	_ =	swait.ge [sflag:s22], s20  }
0xa0: {  	s5 =	ssub.s32 $0x0, s20;
	[sflag:s22] =	ssyncset.done $0x0  }
0xa1: {  	[sflag:s22] =	ssyncadd.s32 s5;
	_ =	sdelay $0x1  }
0xa2: {  	s23 =	simm.s32 $0x1B8B  }
0xa3: {  	_ =	swait.ge [sflag:s23], $0x1  }
0xa4: {  	[sflag:s23] =	ssyncset.done $0x0  }
0xa5: {  	s25 =	simm.s32 $0x1B8E;
	s24 =	sld [smem:$0x3FFE];
	[sflag:s23] =	ssyncadd.s32 $0xFFFFFFFF  }
0xa6: {  	s26 =	simm.s32 $execute0_lowered;
	[smem:$0x3FD2] =	sst s25  }
0xa7: {  	s6 =	sshll.u32 s26, $0x1;
	_ =	strace $0x80000046;
	[dreg:$0x1] =	wrdreg $0xFFFFFFFF  }
0xa8: {  	s28 =	simm.s32 $_size_execute0_lowered;
	s4 =	sadd.s32 s4, s6;
	[dreg:$0x0] =	wrdreg $0x0  }
0xa9: {  	s6 =	sshll.u32 s28, $0x1;
	[dreg:$0x2] =	wrdreg s4  }
0xaa: {  	[dreg:$0x3] =	wrdreg s6  }
0xab: {  	[dreg:$0x4] =	wrdreg $0xC0  }
0xac: {  	_ =	task [dreg:s8], $0x5FFFF  }
0xad: {  	[dreg:$0x1] =	wrdreg $0xFFFFFFFF  }
0xae: {  	[dreg:$0x0] =	wrdreg $0x60  }
0xaf: {  	[dreg:$0x2] =	wrdreg s2  }
0xb0: {  	[dreg:$0x3] =	wrdreg s18  }
0xb1: {  	[dreg:$0x4] =	wrdreg s24  }
0xb2: {  	[dreg:$0x5] =	wrdreg $0x9  }
0xb3: {  	_ =	task.clear_ibuf [dreg:s8], $0x6FFFF;
	_ =	strace $0x90000046  }
0xb4: {  	s29 =	simm.s32 $0x9;
	_ =	strace $0x80000048  }
0xb5: {  	_ =	swait.ge [sflag:s29], $0x1  }
0xb6: {  	[sflag:s29] =	ssyncadd.s32 $0xFFFFFFFF  }
0xb7: {  	_ =	strace $0x90000048  }
0xb8: {  	_ =	sfence  }
0xb9: {  	s30 =	sld [smem:$0x0];
	_ =	sdelay $0x2  }
0xba: {  	s31 =	sshll.u32 s1, $0xD;
	s1 =	sshrl.u32 s1, $0x2  }
0xbb: {  	s3 =	sand.u32 $0x4000, s31;
	s1 =	sadd.s32 s1, s30  }
0xbc: {  	s0 =	sor.u32 s3, s0;
	s1 =	sshll.u32 s1, $0x11  }
0xbd: {  	s0 =	sor.u32 s1, s0  }
0xbe: {  	s0 =	sadd.s32 $0x8F2B, s0  }
0xbf: {  	[sflag:s0] =	ssyncadd.remote.s32 $0x1  }
0xc0: {  	_ =	sfence.sel $0xFFFF  }
0xc1: {  	[dreg:$0x0] =	wrdreg $0xFFFFFFFF;
	(pc) =	sbr.abs _section_cstart, $3  }
0xc2: {  	[dreg:$0x1] =	wrdreg $0xFFFFFFFF  }
0xc3: {  	_ =	task.clear_ibuf [dreg:s8], $0x2FFFF;
	_ =	strace $0x9FFFFFFF  }
0xc4: {  	(tm) =	ssettm $0x7FFFFFFF  }
0xc5: {  	_ =	shalt  }
tec
execute0_lowered:
.L_overlay_start_1:
0x0: {  	(tag) =	ssettag $0x1  }
0x1: {  	s0 =	rddreg [dreg:$0x0]  }
0x2: {  	s2 =	rddreg [dreg:$0x1]  }
0x3: {  	s5 =	rddreg [dreg:$0x2];
	s6 =	srdreg.scid  }
0x4: {  	s1 =	simm.s32 $0x0;
	s8 =	stileid.u32;
	s6 =	sand.u32 $0x1, s6  }
0x5: {  	s8 =	sshll.u32 s8, $0xA;
	s7 =	ssub.s32 $0x2, s6;
	s6 =	sshll.u32 s6, $0x9  }
0x6: {  	[smem:$0x7FF] =	sst s1;
	s3 =	sadd.s32 $0x1A00, s5;
	s6 =	sor.u32 s6, s8  }
0x7: {  	s4 =	sadd.s32 $0xF43E00, s5;
	s9 =	sadd.s32 $0x10CA800, s5;
	s8 =	sshrl.u32 s6, $0x3  }
0x8: {  	s5 =	sadd.s32 $0x110A800, s5;
	_ =	strace $0x80000047;
	s0 =	sadd.s32 s0, s8  }
0x9: {  	s26 =	sshll.u32 s6, $0x4;
	s25 =	sadd.s32 s2, s8;
	[dreg:$0x16] =	wrdreg s0  }
0xa: {  	s10 =	sshrl.u32 s7, $0x1;
	s28 =	sadd.s32 s9, s26;
	[dreg:$0x17] =	wrdreg s25  }
0xb: {  	s7 =	ssub.s32 s7, s10;
	s29 =	sadd.s32 s5, s26;
	[dreg:$0x18] =	wrdreg s28  }
0xc: {  	s31 =	smax.u32 s7, $0x1;
	[dreg:$0x19] =	wrdreg s29;
	s0 =	sor.u32 $0x1000, s26  }
0xd: {  	[dreg:$0x1c] =	wrdreg s31;
	s30 =	sadd.s32 s9, s0  }
0xe: {  	s0 =	sadd.s32 s5, s0;
	[dreg:$0x1a] =	wrdreg s30  }
0xf: {  	s2 =	simm.s32 $0x0;
	s5 =	simm.s32 $0x3;
	[dreg:$0x1b] =	wrdreg s0  }
.LBB2_1:
0x10: {  	[dreg:$0x1d] =	wrdreg s2  }
0x11: {  	s0 =	rddreg [dreg:$0x16]  }
0x12: {  	[tilespmem:s1], [sflag:$0x3] =	stream.linear.gather [hbm4b:s0+s1], $0x200, $0x38;
	[tilespmem:$0x10400] =	vst v63  }
0x13: {  	_ =	swait.ge [sflag:s5], $0x200  }
0x14: {  	[sflag:s5] =	ssyncset.done $0x0  }
0x15: {  	s12 =	simm.s32 $0x200;
	s13 =	rddreg [dreg:$0x17];
	[sflag:s5] =	ssyncadd.s32 $0xFFFFFE00  }
0x16: {  	[tilespmem:s12], [sflag:$0x3] =	stream.linear.gather [hbm4b:s13+s1], $0x200, $0x38;
	[tilespmem:$0x10400] =	vst v63  }
0x17: {  	_ =	swait.ge [sflag:s5], $0x200  }
0x18: {  	[sflag:s5] =	ssyncset.done $0x0  }
0x19: {  	[sflag:s5] =	ssyncadd.s32 $0xFFFFFE00  }
0x1a: {  	v0 =	vld [tilespmem:s1+$0x0]  }
0x1b: {  	v2 =	vld [tilespmem:s12+$0x0];
	_ =	sdelay $0x3  }
0x1c: {  	v1 =	vshll.u32 v0, $0x4  }
0x1d: {  	v63 =	vshll.u32 v2, $0x4;
	(v2sf) =	vpush v1, $0x0  }
0x1e: {  	(v2sf) =	vpush v63, $0x0;
	_ =	sdelay $0x2  }
0x1f: {  	(v2sf) =	vpush v1, $0x1  }
0x20: {  	(v2sf) =	vpush v63, $0x1;
	_ =	sdelay $0x1  }
0x21: {  	(v2sf) =	vpush v1, $0x2;
	_ =	sdelay $0x1  }
0x22: {  	(v2sf) =	vpush v63, $0x2;
	_ =	sdelay $0x1  }
0x23: {  	s19 =	simm.s32 $0x2000;
	(v2sf) =	vpush v1, $0x3  }
0x24: {  	s18 =	simm.s32 $0x0;
	s6 =	simm.s32 $0x8400;
	s2 =	simm.s32 $0x880  }
0x25: {  	s7 =	simm.s32 $0x400;
	s9 =	simm.s32 $0x600;
	s10 =	simm.s32 $0x580  }
0x26: {  	s16 =	simm.s32 $0x480;
	s21 =	simm.s32 $0x8480;
	s23 =	simm.s32 $0x500  }
0x27: {  	s26 =	simm.s32 $0x8500;
	s28 =	simm.s32 $0xA00;
	s8 =	spop (v2sf);
	(v2sf) =	vpush v63, $0x3  }
0x28: {  	s0 =	simm.s32 $0x8900;
	s8 =	sand.u32 $0x1FFFFFF0, s8;
	s11 =	spop (v2sf)  }
0x29: {  	s5 =	simm.s32 $0x680;
	(v2sf) =	vpush v1, $0x4;
	s8 =	sadd.s32 s3, s8;
	s14 =	sand.u32 $0x1FFFFFF0, s11  }
0x2a: {  	(v2sf) =	vpush v63, $0x4;
	[tilespmem:s7], [sflag:$0x1] =	stream.linear.gather [hbm4b:s8+s1], $0x80, $0x38;
	[tilespmem:$0x10400] =	vst v63  }
0x2b: {  	s15 =	spop (v2sf);
	s7 =	simm.s32 $0x8580;
	s8 =	sadd.s32 s4, s14  }
0x2c: {  	s11 =	sand.u32 $0x1FFFFFF0, s15;
	s12 =	spop (v2sf);
	s14 =	simm.s32 $0x8600  }
0x2d: {  	(v2sf) =	vpush v1, $0x5;
	[tilespmem:s6], [sflag:$0x2] =	stream.linear.gather [hbm4b:s8+s1], $0x80, $0x38;
	[tilespmem:$0x10400] =	vst v63  }
0x2e: {  	s17 =	sadd.s32 s3, s11;
	s20 =	sand.u32 $0x1FFFFFF0, s12;
	s22 =	spop (v2sf);
	(v2sf) =	vpush v63, $0x5  }
0x2f: {  	[tilespmem:s16], [sflag:$0x1] =	stream.linear.gather [hbm4b:s17+s1], $0x80, $0x38;
	[tilespmem:$0x10400] =	vst v63  }
0x30: {  	s11 =	sadd.s32 s4, s20;
	(v2sf) =	vpush v1, $0x6;
	s8 =	sand.u32 $0x1FFFFFF0, s22;
	s24 =	spop (v2sf)  }
0x31: {  	[tilespmem:s21], [sflag:$0x2] =	stream.linear.gather [hbm4b:s11+s1], $0x80, $0x38;
	[tilespmem:$0x10400] =	vst v63  }
0x32: {  	s8 =	sadd.s32 s3, s8;
	s25 =	spop (v2sf);
	s11 =	sand.u32 $0x1FFFFFF0, s24  }
0x33: {  	[tilespmem:s23], [sflag:$0x1] =	stream.linear.gather [hbm4b:s8+s1], $0x80, $0x38;
	[tilespmem:$0x10400] =	vst v63  }
0x34: {  	s12 =	simm.s32 $0x8A00;
	(v2sf) =	vpush v63, $0x6;
	s30 =	sand.u32 $0x1FFFFFF0, s25;
	s29 =	sadd.s32 s4, s11  }
0x35: {  	[tilespmem:s26], [sflag:$0x2] =	stream.linear.gather [hbm4b:s29+s1], $0x80, $0x38;
	[tilespmem:$0x10400] =	vst v63  }
0x36: {  	s13 =	sadd.s32 s3, s30;
	s21 =	simm.s32 $0x8680;
	s31 =	spop (v2sf)  }
0x37: {  	[tilespmem:s10], [sflag:$0x1] =	stream.linear.gather [hbm4b:s13+s1], $0x80, $0x38;
	[tilespmem:$0x10400] =	vst v63  }
0x38: {  	s23 =	simm.s32 $0x700;
	(v2sf) =	vpush v1, $0x7;
	s6 =	sand.u32 $0x1FFFFFF0, s31;
	s15 =	spop (v2sf)  }
0x39: {  	s6 =	sadd.s32 s4, s6;
	s10 =	sand.u32 $0x1FFFFFF0, s15;
	s16 =	spop (v2sf)  }
0x3a: {  	(v2sf) =	vpush v63, $0x7;
	[tilespmem:s7], [sflag:$0x2] =	stream.linear.gather [hbm4b:s6+s1], $0x80, $0x38;
	[tilespmem:$0x10400] =	vst v63  }
0x3b: {  	s13 =	simm.s32 $0xA80;
	(v2sf) =	vpush v1, $0x8;
	s17 =	sadd.s32 s3, s10;
	s20 =	sand.u32 $0x1FFFFFF0, s16  }
0x3c: {  	s22 =	spop (v2sf);
	s10 =	simm.s32 $0x8A80;
	s7 =	sadd.s32 s4, s20  }
0x3d: {  	(v2sf) =	vpush v63, $0x8;
	s24 =	sand.u32 $0x1FFFFFF0, s22;
	s25 =	spop (v2sf);
	s22 =	simm.s32 $0x8780  }
0x3e: {  	[tilespmem:s9], [sflag:$0x1] =	stream.linear.gather [hbm4b:s17+s1], $0x80, $0x38;
	[tilespmem:$0x10400] =	vst v63  }
0x3f: {  	(v2sf) =	vpush v1, $0x9;
	s8 =	sadd.s32 s3, s24;
	s9 =	sand.u32 $0x1FFFFFF0, s25;
	s26 =	spop (v2sf)  }
0x40: {  	[tilespmem:s14], [sflag:$0x2] =	stream.linear.gather [hbm4b:s7+s1], $0x80, $0x38;
	[tilespmem:$0x10400] =	vst v63  }
0x41: {  	(v2sf) =	vpush v63, $0x9;
	s17 =	simm.s32 $0x780;
	s24 =	simm.s32 $0x800;
	s29 =	sadd.s32 s4, s9  }
0x42: {  	[tilespmem:s5], [sflag:$0x1] =	stream.linear.gather [hbm4b:s8+s1], $0x80, $0x38;
	[tilespmem:$0x10400] =	vst v63  }
0x43: {  	s30 =	sand.u32 $0x1FFFFFF0, s26;
	s31 =	spop (v2sf);
	(v2sf) =	vpush v1, $0xA;
	s9 =	simm.s32 $0x8880  }
0x44: {  	[tilespmem:s21], [sflag:$0x2] =	stream.linear.gather [hbm4b:s29+s1], $0x80, $0x38;
	[tilespmem:$0x10400] =	vst v63  }
0x45: {  	s11 =	sadd.s32 s3, s30;
	s14 =	simm.s32 $0x8700;
	(v2sf) =	vpush v63, $0xA;
	s6 =	sand.u32 $0x1FFFFFF0, s31  }
0x46: {  	[tilespmem:s23], [sflag:$0x1] =	stream.linear.gather [hbm4b:s11+s1], $0x80, $0x38;
	[tilespmem:$0x10400] =	vst v63  }
0x47: {  	s6 =	sadd.s32 s4, s6;
	s29 =	simm.s32 $0x8800;
	s15 =	spop (v2sf);
	(v2sf) =	vpush v1, $0xB  }
0x48: {  	[tilespmem:s14], [sflag:$0x2] =	stream.linear.gather [hbm4b:s6+s1], $0x80, $0x38;
	[tilespmem:$0x10400] =	vst v63  }
0x49: {  	s14 =	simm.s32 $0x900;
	s8 =	sand.u32 $0x1FFFFFF0, s15;
	s16 =	spop (v2sf)  }
0x4a: {  	s20 =	sadd.s32 s3, s8;
	s21 =	sand.u32 $0x1FFFFFF0, s16;
	s23 =	spop (v2sf)  }
0x4b: {  	(v2sf) =	vpush v63, $0xB;
	[tilespmem:s17], [sflag:$0x1] =	stream.linear.gather [hbm4b:s20+s1], $0x80, $0x38;
	[tilespmem:$0x10400] =	vst v63  }
0x4c: {  	s8 =	sadd.s32 s4, s21;
	s7 =	sand.u32 $0x1FFFFFF0, s23;
	s25 =	spop (v2sf)  }
0x4d: {  	[tilespmem:s22], [sflag:$0x2] =	stream.linear.gather [hbm4b:s8+s1], $0x80, $0x38;
	[tilespmem:$0x10400] =	vst v63  }
0x4e: {  	(v2sf) =	vpush v1, $0xC;
	s7 =	sadd.s32 s3, s7;
	s26 =	spop (v2sf);
	s8 =	sand.u32 $0x1FFFFFF0, s25  }
0x4f: {  	(v2sf) =	vpush v63, $0xC;
	[tilespmem:s24], [sflag:$0x1] =	stream.linear.gather [hbm4b:s7+s1], $0x80, $0x38;
	[tilespmem:$0x10400] =	vst v63  }
0x50: {  	s31 =	sand.u32 $0x1FFFFFF0, s26;
	s11 =	spop (v2sf);
	s30 =	sadd.s32 s4, s8  }
0x51: {  	[tilespmem:s29], [sflag:$0x2] =	stream.linear.gather [hbm4b:s30+s1], $0x80, $0x38;
	[tilespmem:$0x10400] =	vst v63  }
0x52: {  	s8 =	sadd.s32 s3, s31;
	s15 =	spop (v2sf);
	s7 =	sand.u32 $0x1FFFFFF0, s11  }
0x53: {  	[tilespmem:s2], [sflag:$0x1] =	stream.linear.gather [hbm4b:s8+s1], $0x80, $0x38;
	[tilespmem:$0x10400] =	vst v63  }
0x54: {  	s16 =	spop (v2sf);
	s7 =	sadd.s32 s4, s7;
	s8 =	sand.u32 $0x1FFFFFF0, s15  }
0x55: {  	[tilespmem:s9], [sflag:$0x2] =	stream.linear.gather [hbm4b:s7+s1], $0x80, $0x38;
	[tilespmem:$0x10400] =	vst v63  }
0x56: {  	s20 =	sand.u32 $0x1FFFFFF0, s16;
	s17 =	sadd.s32 s3, s8;
	s21 =	spop (v2sf)  }
0x57: {  	[tilespmem:s14], [sflag:$0x1] =	stream.linear.gather [hbm4b:s17+s1], $0x80, $0x38;
	[tilespmem:$0x10400] =	vst v63  }
0x58: {  	s5 =	simm.s32 $0x8980;
	s22 =	sadd.s32 s4, s20;
	s23 =	sand.u32 $0x1FFFFFF0, s21  }
0x59: {  	[tilespmem:s0], [sflag:$0x2] =	stream.linear.gather [hbm4b:s22+s1], $0x80, $0x38;
	[tilespmem:$0x10400] =	vst v63  }
0x5a: {  	s25 =	simm.s32 $0x980;
	(v2sf) =	vpush v1, $0xD;
	s24 =	spop (v2sf);
	s26 =	sadd.s32 s3, s23  }
0x5b: {  	(v2sf) =	vpush v63, $0xD;
	s29 =	sand.u32 $0x1FFFFFF0, s24;
	s23 =	simm.s32 $0x10;
	s24 =	simm.s32 $0x210  }
0x5c: {  	(v2sf) =	vpush v1, $0xE;
	[tilespmem:s25], [sflag:$0x1] =	stream.linear.gather [hbm4b:s26+s1], $0x80, $0x38;
	[tilespmem:$0x10400] =	vst v63  }
0x5d: {  	s30 =	sadd.s32 s4, s29;
	(v2sf) =	vpush v63, $0xE;
	s31 =	spop (v2sf);
	s26 =	simm.s32 $0xB00  }
0x5e: {  	(v2sf) =	vpush v1, $0xF;
	s25 =	simm.s32 $0x8B00;
	s0 =	sand.u32 $0x1FFFFFF0, s31;
	s2 =	spop (v2sf)  }
0x5f: {  	(v2sf) =	vpush v63, $0xF;
	[tilespmem:s5], [sflag:$0x2] =	stream.linear.gather [hbm4b:s30+s1], $0x80, $0x38;
	[tilespmem:$0x10400] =	vst v63  }
.LBB2_2:
0x60: {  	_ =	sdelay $0x4  }
0x61: {  	s0 =	sadd.s32 s3, s0;
	s2 =	sand.u32 $0x1FFFFFF0, s2  }
0x62: {  	[tilespmem:s28], [sflag:$0x1] =	stream.linear.gather [hbm4b:s0+s1], $0x80, $0x38;
	[tilespmem:$0x10400] =	vst v63  }
0x63: {  	s29 =	sadd.s32 s4, s2  }
0x64: {  	[tilespmem:s12], [sflag:$0x2] =	stream.linear.gather [hbm4b:s29+s1], $0x80, $0x38;
	[tilespmem:$0x10400] =	vst v63  }
0x65: {  	s5 =	spop (v2sf)  }
0x66: {  	s30 =	sand.u32 $0x1FFFFFF0, s5;
	s31 =	spop (v2sf)  }
0x67: {  	s2 =	sadd.s32 s3, s30;
	s5 =	sand.u32 $0x1FFFFFF0, s31;
	s6 =	spop (v2sf)  }
0x68: {  	[tilespmem:s13], [sflag:$0x1] =	stream.linear.gather [hbm4b:s2+s1], $0x80, $0x38;
	[tilespmem:$0x10400] =	vst v63  }
0x69: {  	s7 =	sadd.s32 s4, s5;
	s8 =	sand.u32 $0x1FFFFFF0, s6;
	s9 =	spop (v2sf)  }
0x6a: {  	[tilespmem:s10], [sflag:$0x2] =	stream.linear.gather [hbm4b:s7+s1], $0x80, $0x38;
	[tilespmem:$0x10400] =	vst v63  }
0x6b: {  	s11 =	sand.u32 $0x1FFFFFF0, s9;
	s12 =	spop (v2sf);
	s10 =	sadd.s32 s3, s8  }
0x6c: {  	[tilespmem:s26], [sflag:$0x1] =	stream.linear.gather [hbm4b:s10+s1], $0x80, $0x38;
	[tilespmem:$0x10400] =	vst v63  }
0x6d: {  	s13 =	sadd.s32 s4, s11;
	s14 =	sand.u32 $0x1FFFFFF0, s12;
	s15 =	spop (v2sf)  }
0x6e: {  	[tilespmem:s25], [sflag:$0x2] =	stream.linear.gather [hbm4b:s13+s1], $0x80, $0x38;
	[tilespmem:$0x10400] =	vst v63  }
0x6f: {  	s16 =	sadd.s32 $0xB80, s18;
	s2 =	sadd.s32 s3, s14;
	s5 =	sand.u32 $0x1FFFFFF0, s15  }
0x70: {  	[tilespmem:s16], [sflag:$0x1] =	stream.linear.gather [hbm4b:s2+s1], $0x80, $0x38;
	[tilespmem:$0x10400] =	vst v63  }
0x71: {  	s17 =	sadd.s32 $0x8B80, s18;
	s18 =	sadd.s32 s4, s5  }
0x72: {  	[tilespmem:s17], [sflag:$0x2] =	stream.linear.gather [hbm4b:s18+s1], $0x80, $0x38;
	[tilespmem:$0x10400] =	vst v63  }
0x73: {  	v0 =	vld [tilespmem:s23+$0x0]  }
0x74: {  	v2 =	vld [tilespmem:s24+$0x0];
	_ =	sdelay $0x3  }
0x75: {  	v1 =	vshll.u32 v0, $0x4  }
0x76: {  	s20 =	smov.u32 s19;
	v63 =	vshll.u32 v2, $0x4;
	(v2sf) =	vpush v1, $0x0  }
0x77: {  	s18 =	sshra.s32 s20, $0x2;
	(v2sf) =	vpush v63, $0x0  }
0x78: {  	p0 =	sne.s32 s19, $0x1E000;
	s19 =	sadd.s32 $0x2000, s19;
	s30 =	sadd.s32 $0x8400, s18;
	(v2sf) =	vpush v1, $0x1  }
0x79: {  	s6 =	sadd.s32 $0x680, s18;
	s0 =	sadd.s32 $0x880, s18;
	s29 =	sadd.s32 $0x400, s18  }
0x7a: {  	s13 =	sadd.s32 $0x600, s18;
	s21 =	sadd.s32 $0x8900, s18;
	s12 =	sadd.s32 $0x580, s18;
	(v2sf) =	vpush v63, $0x1  }
0x7b: {  	s17 =	sadd.s32 $0x8580, s18;
	s22 =	sadd.s32 $0x8A00, s18;
	s20 =	sadd.s32 $0x500, s18  }
0x7c: {  	s14 =	sadd.s32 $0x8600, s18;
	s5 =	sadd.s32 $0xA80, s18;
	s31 =	sadd.s32 $0x8480, s18;
	(v2sf) =	vpush v1, $0x2  }
0x7d: {  	s11 =	sadd.s32 $0x8680, s18;
	s10 =	sadd.s32 $0x700, s18;
	[dreg:$0x8] =	wrdreg s0  }
0x7e: {  	s25 =	sadd.s32 $0x8980, s18;
	s26 =	sadd.s32 $0x8A80, s18;
	[dreg:$0x4] =	wrdreg s21;
	(v2sf) =	vpush v63, $0x2  }
0x7f: {  	s9 =	sadd.s32 $0x8700, s18;
	s7 =	sadd.s32 $0x8880, s18;
	[dreg:$0x12] =	wrdreg s22  }
0x80: {  	s8 =	sadd.s32 $0x900, s18;
	s15 =	sadd.s32 $0x8800, s18;
	[dreg:$0x6] =	wrdreg s25;
	(v2sf) =	vpush v1, $0x3  }
0x81: {  	s28 =	sadd.s32 $0xA00, s18;
	s16 =	sadd.s32 $0x800, s18;
	[dreg:$0x14] =	wrdreg s26  }
0x82: {  	s23 =	sadd.s32 $0x10, s23;
	s24 =	sadd.s32 $0x10, s24;
	[dreg:$0xc] =	wrdreg s7;
	(v2sf) =	vpush v63, $0x3  }
0x83: {  	s2 =	sadd.s32 $0x980, s18;
	s0 =	sadd.s32 $0x8500, s18;
	[dreg:$0xa] =	wrdreg s8  }
0x84: {  	s8 =	sadd.s32 $0x780, s18;
	[dreg:$0xe] =	wrdreg s15;
	s15 =	sadd.s32 $0x480, s18;
	(v2sf) =	vpush v1, $0x4  }
0x85: {  	s7 =	sadd.s32 $0x8780, s18;
	[dreg:$0x10] =	wrdreg s16;
	s21 =	spop (v2sf)  }
0x86: {  	s26 =	sadd.s32 $0xB00, s18;
	s21 =	sand.u32 $0x1FFFFFF0, s21;
	s22 =	spop (v2sf);
	(v2sf) =	vpush v63, $0x4  }
0x87: {  	s21 =	sadd.s32 s3, s21;
	s22 =	sand.u32 $0x1FFFFFF0, s22;
	s16 =	spop (v2sf)  }
0x88: {  	(v2sf) =	vpush v1, $0x5;
	[tilespmem:s29], [sflag:$0x1] =	stream.linear.gather [hbm4b:s21+s1], $0x80, $0x38;
	[tilespmem:$0x10400] =	vst v63  }
0x89: {  	s22 =	sadd.s32 s4, s22;
	s16 =	sand.u32 $0x1FFFFFF0, s16;
	s29 =	spop (v2sf);
	(v2sf) =	vpush v63, $0x5  }
0x8a: {  	[tilespmem:s30], [sflag:$0x2] =	stream.linear.gather [hbm4b:s22+s1], $0x80, $0x38;
	[tilespmem:$0x10400] =	vst v63  }
0x8b: {  	s16 =	sadd.s32 s3, s16;
	s29 =	sand.u32 $0x1FFFFFF0, s29;
	s30 =	spop (v2sf);
	(v2sf) =	vpush v1, $0x6  }
0x8c: {  	[tilespmem:s15], [sflag:$0x1] =	stream.linear.gather [hbm4b:s16+s1], $0x80, $0x38;
	[tilespmem:$0x10400] =	vst v63  }
0x8d: {  	s21 =	sand.u32 $0x1FFFFFF0, s30;
	s22 =	spop (v2sf);
	(v2sf) =	vpush v63, $0x6;
	s16 =	sadd.s32 s4, s29  }
0x8e: {  	[tilespmem:s31], [sflag:$0x2] =	stream.linear.gather [hbm4b:s16+s1], $0x80, $0x38;
	[tilespmem:$0x10400] =	vst v63  }
0x8f: {  	s29 =	sadd.s32 s3, s21;
	s30 =	sand.u32 $0x1FFFFFF0, s22;
	s31 =	spop (v2sf)  }
0x90: {  	(v2sf) =	vpush v1, $0x7;
	[tilespmem:s20], [sflag:$0x1] =	stream.linear.gather [hbm4b:s29+s1], $0x80, $0x38;
	[tilespmem:$0x10400] =	vst v63  }
0x91: {  	s21 =	sand.u32 $0x1FFFFFF0, s31;
	s22 =	spop (v2sf);
	s20 =	sadd.s32 s4, s30  }
0x92: {  	(v2sf) =	vpush v63, $0x7;
	[tilespmem:s0], [sflag:$0x2] =	stream.linear.gather [hbm4b:s20+s1], $0x80, $0x38;
	[tilespmem:$0x10400] =	vst v63  }
0x93: {  	s29 =	sadd.s32 s3, s21;
	s30 =	sand.u32 $0x1FFFFFF0, s22;
	s31 =	spop (v2sf)  }
0x94: {  	[tilespmem:s12], [sflag:$0x1] =	stream.linear.gather [hbm4b:s29+s1], $0x80, $0x38;
	[tilespmem:$0x10400] =	vst v63  }
0x95: {  	s21 =	sand.u32 $0x1FFFFFF0, s31;
	s20 =	sadd.s32 s4, s30;
	s22 =	spop (v2sf)  }
0x96: {  	(v2sf) =	vpush v1, $0x8;
	[tilespmem:s17], [sflag:$0x2] =	stream.linear.gather [hbm4b:s20+s1], $0x80, $0x38;
	[tilespmem:$0x10400] =	vst v63  }
0x97: {  	s25 =	sadd.s32 $0x8B00, s18;
	s29 =	sadd.s32 s3, s21;
	s31 =	spop (v2sf)  }
0x98: {  	s12 =	rddreg [dreg:$0x12];
	(v2sf) =	vpush v63, $0x8;
	s30 =	sand.u32 $0x1FFFFFF0, s22;
	s20 =	spop (v2sf)  }
0x99: {  	(v2sf) =	vpush v1, $0x9;
	[tilespmem:s13], [sflag:$0x1] =	stream.linear.gather [hbm4b:s29+s1], $0x80, $0x38;
	[tilespmem:$0x10400] =	vst v63  }
0x9a: {  	s16 =	sadd.s32 s4, s30;
	s17 =	sand.u32 $0x1FFFFFF0, s31;
	s29 =	spop (v2sf)  }
0x9b: {  	(v2sf) =	vpush v63, $0x9;
	[tilespmem:s14], [sflag:$0x2] =	stream.linear.gather [hbm4b:s16+s1], $0x80, $0x38;
	[tilespmem:$0x10400] =	vst v63  }
0x9c: {  	s22 =	sand.u32 $0x1FFFFFF0, s20;
	s13 =	smov.u32 s5;
	s5 =	spop (v2sf)  }
0x9d: {  	s21 =	sadd.s32 s3, s17;
	s30 =	sadd.s32 s4, s22;
	s14 =	sand.u32 $0x1FFFFFF0, s5  }
0x9e: {  	[tilespmem:s6], [sflag:$0x1] =	stream.linear.gather [hbm4b:s21+s1], $0x80, $0x38;
	[tilespmem:$0x10400] =	vst v63  }
0x9f: {  	(v2sf) =	vpush v1, $0xA;
	s31 =	sand.u32 $0x1FFFFFF0, s29;
	s16 =	sadd.s32 s4, s14;
	s15 =	spop (v2sf)  }
0xa0: {  	[tilespmem:s11], [sflag:$0x2] =	stream.linear.gather [hbm4b:s30+s1], $0x80, $0x38;
	[tilespmem:$0x10400] =	vst v63  }
0xa1: {  	(v2sf) =	vpush v63, $0xA;
	s11 =	sadd.s32 s3, s31;
	s17 =	sand.u32 $0x1FFFFFF0, s15;
	s20 =	spop (v2sf)  }
0xa2: {  	[tilespmem:s10], [sflag:$0x1] =	stream.linear.gather [hbm4b:s11+s1], $0x80, $0x38;
	[tilespmem:$0x10400] =	vst v63  }
0xa3: {  	s21 =	sadd.s32 s3, s17;
	s22 =	sand.u32 $0x1FFFFFF0, s20;
	s10 =	rddreg [dreg:$0x14]  }
0xa4: {  	[tilespmem:s9], [sflag:$0x2] =	stream.linear.gather [hbm4b:s16+s1], $0x80, $0x38;
	[tilespmem:$0x10400] =	vst v63  }
0xa5: {  	(v2sf) =	vpush v1, $0xB;
	s29 =	spop (v2sf);
	s30 =	sadd.s32 s4, s22;
	s22 =	rddreg [dreg:$0x8]  }
0xa6: {  	[tilespmem:s8], [sflag:$0x1] =	stream.linear.gather [hbm4b:s21+s1], $0x80, $0x38;
	[tilespmem:$0x10400] =	vst v63  }
0xa7: {  	(v2sf) =	vpush v63, $0xB;
	s31 =	sand.u32 $0x1FFFFFF0, s29;
	s9 =	rddreg [dreg:$0x10];
	s5 =	spop (v2sf)  }
0xa8: {  	(v2sf) =	vpush v1, $0xC;
	s6 =	sadd.s32 s3, s31;
	s16 =	rddreg [dreg:$0xe];
	s8 =	spop (v2sf)  }
0xa9: {  	[tilespmem:s7], [sflag:$0x2] =	stream.linear.gather [hbm4b:s30+s1], $0x80, $0x38;
	[tilespmem:$0x10400] =	vst v63  }
0xaa: {  	(v2sf) =	vpush v63, $0xC;
	s7 =	sand.u32 $0x1FFFFFF0, s5;
	s14 =	sand.u32 $0x1FFFFFF0, s8;
	s15 =	spop (v2sf)  }
0xab: {  	[tilespmem:s9], [sflag:$0x1] =	stream.linear.gather [hbm4b:s6+s1], $0x80, $0x38;
	[tilespmem:$0x10400] =	vst v63  }
0xac: {  	s8 =	rddreg [dreg:$0xc];
	s11 =	sadd.s32 s4, s7;
	s17 =	sadd.s32 s3, s14  }
0xad: {  	[tilespmem:s16], [sflag:$0x2] =	stream.linear.gather [hbm4b:s11+s1], $0x80, $0x38;
	[tilespmem:$0x10400] =	vst v63  }
0xae: {  	s20 =	sand.u32 $0x1FFFFFF0, s15;
	s15 =	rddreg [dreg:$0xa];
	s21 =	spop (v2sf)  }
0xaf: {  	[tilespmem:s22], [sflag:$0x1] =	stream.linear.gather [hbm4b:s17+s1], $0x80, $0x38;
	[tilespmem:$0x10400] =	vst v63  }
0xb0: {  	s29 =	sadd.s32 s4, s20;
	s30 =	sand.u32 $0x1FFFFFF0, s21;
	s31 =	spop (v2sf)  }
0xb1: {  	[tilespmem:s8], [sflag:$0x2] =	stream.linear.gather [hbm4b:s29+s1], $0x80, $0x38;
	[tilespmem:$0x10400] =	vst v63  }
0xb2: {  	s21 =	rddreg [dreg:$0x4];
	s9 =	sadd.s32 s3, s30;
	s11 =	sand.u32 $0x1FFFFFF0, s31  }
0xb3: {  	[tilespmem:s15], [sflag:$0x1] =	stream.linear.gather [hbm4b:s9+s1], $0x80, $0x38;
	[tilespmem:$0x10400] =	vst v63  }
0xb4: {  	s31 =	rddreg [dreg:$0x6];
	s16 =	sadd.s32 s4, s11;
	s14 =	spop (v2sf)  }
0xb5: {  	(v2sf) =	vpush v1, $0xD;
	[tilespmem:s21], [sflag:$0x2] =	stream.linear.gather [hbm4b:s16+s1], $0x80, $0x38;
	[tilespmem:$0x10400] =	vst v63  }
.Ltmp0:
0xb6: {  	(v2sf) =	vpush v63, $0xD;
	s17 =	sand.u32 $0x1FFFFFF0, s14;
	s20 =	spop (v2sf);
	(pc) =	sbr.rel @p0 .LBB2_2-.Ltmp0, $4  }
0xb7: {  	(v2sf) =	vpush v1, $0xE;
	s22 =	sadd.s32 s3, s17;
	s29 =	sand.u32 $0x1FFFFFF0, s20;
	s30 =	spop (v2sf)  }
0xb8: {  	(v2sf) =	vpush v63, $0xE;
	[tilespmem:s2], [sflag:$0x1] =	stream.linear.gather [hbm4b:s22+s1], $0x80, $0x38;
	[tilespmem:$0x10400] =	vst v63  }
0xb9: {  	(v2sf) =	vpush v1, $0xF;
	s5 =	sadd.s32 s4, s29;
	s0 =	sand.u32 $0x1FFFFFF0, s30;
	s2 =	spop (v2sf)  }
0xba: {  	(v2sf) =	vpush v63, $0xF;
	[tilespmem:s31], [sflag:$0x2] =	stream.linear.gather [hbm4b:s5+s1], $0x80, $0x38;
	[tilespmem:$0x10400] =	vst v63  }
0xbb: {  	_ =	sdelay $0x4  }
0xbc: {  	s0 =	sadd.s32 s3, s0;
	s2 =	sand.u32 $0x1FFFFFF0, s2  }
0xbd: {  	[tilespmem:s28], [sflag:$0x1] =	stream.linear.gather [hbm4b:s0+s1], $0x80, $0x38;
	[tilespmem:$0x10400] =	vst v63  }
0xbe: {  	s6 =	sadd.s32 s4, s2  }
0xbf: {  	[tilespmem:s12], [sflag:$0x2] =	stream.linear.gather [hbm4b:s6+s1], $0x80, $0x38;
	[tilespmem:$0x10400] =	vst v63  }
0xc0: {  	s5 =	spop (v2sf)  }
0xc1: {  	s7 =	sand.u32 $0x1FFFFFF0, s5;
	s8 =	spop (v2sf)  }
0xc2: {  	s9 =	sadd.s32 s3, s7;
	s11 =	sand.u32 $0x1FFFFFF0, s8;
	s12 =	spop (v2sf)  }
0xc3: {  	[tilespmem:s13], [sflag:$0x1] =	stream.linear.gather [hbm4b:s9+s1], $0x80, $0x38;
	[tilespmem:$0x10400] =	vst v63  }
0xc4: {  	s14 =	sadd.s32 s4, s11;
	s15 =	sand.u32 $0x1FFFFFF0, s12;
	s16 =	spop (v2sf)  }
0xc5: {  	[tilespmem:s10], [sflag:$0x2] =	stream.linear.gather [hbm4b:s14+s1], $0x80, $0x38;
	[tilespmem:$0x10400] =	vst v63  }
0xc6: {  	s17 =	sadd.s32 s3, s15;
	s19 =	sand.u32 $0x1FFFFFF0, s16;
	s20 =	spop (v2sf)  }
0xc7: {  	[tilespmem:s26], [sflag:$0x1] =	stream.linear.gather [hbm4b:s17+s1], $0x80, $0x38;
	[tilespmem:$0x10400] =	vst v63  }
0xc8: {  	s21 =	sadd.s32 s4, s19;
	s22 =	sand.u32 $0x1FFFFFF0, s20;
	s23 =	spop (v2sf)  }
0xc9: {  	[tilespmem:s25], [sflag:$0x2] =	stream.linear.gather [hbm4b:s21+s1], $0x80, $0x38;
	[tilespmem:$0x10400] =	vst v63  }
0xca: {  	s24 =	sadd.s32 $0xB80, s18;
	s2 =	sadd.s32 s3, s22;
	s5 =	sand.u32 $0x1FFFFFF0, s23  }
0xcb: {  	[tilespmem:s24], [sflag:$0x1] =	stream.linear.gather [hbm4b:s2+s1], $0x80, $0x38;
	[tilespmem:$0x10400] =	vst v63  }
0xcc: {  	s29 =	simm.s32 $0x1;
	s26 =	sadd.s32 s4, s5;
	s25 =	sadd.s32 $0x8B80, s18  }
0xcd: {  	[tilespmem:s25], [sflag:$0x2] =	stream.linear.gather [hbm4b:s26+s1], $0x80, $0x38;
	[tilespmem:$0x10400] =	vst v63  }
0xce: {  	_ =	swait.ge [sflag:s29], $0x8000  }
0xcf: {  	[sflag:s29] =	ssyncset.done $0x0  }
0xd0: {  	s30 =	simm.s32 $0x2;
	[sflag:s29] =	ssyncadd.s32 $0xFFFF8000  }
0xd1: {  	_ =	swait.ge [sflag:s30], $0x8000  }
0xd2: {  	s31 =	simm.s32 $0x0;
	s7 =	simm.s32 $0x400;
	[sflag:s30] =	ssyncset.done $0x0  }
0xd3: {  	s8 =	simm.s32 $0x3;
	s6 =	rddreg [dreg:$0x18];
	[sflag:s30] =	ssyncadd.s32 $0xFFFF8000  }
0xd4: {  	[hbm4b:s6+s31] =	stream.linear.scatter [tilespmem:s7], [sflag:$0x3], $0x8000, $0x38;
	[tilespmem:$0x10400] =	vst v63  }
0xd5: {  	_ =	swait.ge [sflag:s8], $0x8000  }
0xd6: {  	[sflag:s8] =	ssyncset.done $0x0  }
0xd7: {  	s6 =	simm.s32 $0x8400;
	s9 =	rddreg [dreg:$0x19];
	[sflag:s8] =	ssyncadd.s32 $0xFFFF8000  }
0xd8: {  	[hbm4b:s9+s31] =	stream.linear.scatter [tilespmem:s6], [sflag:$0x3], $0x8000, $0x38;
	[tilespmem:$0x10400] =	vst v63  }
0xd9: {  	_ =	swait.ge [sflag:s8], $0x8000  }
0xda: {  	[sflag:s8] =	ssyncset.done $0x0  }
0xdb: {  	s10 =	simm.s32 $0x100;
	[sflag:s8] =	ssyncadd.s32 $0xFFFF8000  }
0xdc: {  	s11 =	simm.s32 $0x300;
	v0 =	vld [tilespmem:s10+$0x0]  }
0xdd: {  	v2 =	vld [tilespmem:s11+$0x0];
	_ =	sdelay $0x3  }
0xde: {  	v1 =	vshll.u32 v0, $0x4  }
0xdf: {  	v63 =	vshll.u32 v2, $0x4;
	(v2sf) =	vpush v1, $0x0  }
0xe0: {  	(v2sf) =	vpush v63, $0x0;
	_ =	sdelay $0x2  }
0xe1: {  	(v2sf) =	vpush v1, $0x1  }
0xe2: {  	(v2sf) =	vpush v63, $0x1;
	_ =	sdelay $0x1  }
0xe3: {  	(v2sf) =	vpush v1, $0x2;
	_ =	sdelay $0x1  }
0xe4: {  	(v2sf) =	vpush v63, $0x2;
	_ =	sdelay $0x1  }
0xe5: {  	s0 =	simm.s32 $0x8900;
	(v2sf) =	vpush v1, $0x3  }
0xe6: {  	s28 =	simm.s32 $0xA00;
	s12 =	simm.s32 $0x8400;
	s16 =	simm.s32 $0x480  }
0xe7: {  	s19 =	simm.s32 $0x2000;
	s23 =	simm.s32 $0x500;
	s5 =	simm.s32 $0x680;
	(v2sf) =	vpush v63, $0x3  }
0xe8: {  	s18 =	simm.s32 $0x0;
	s21 =	simm.s32 $0x8480;
	s2 =	simm.s32 $0x880  }
0xe9: {  	s26 =	simm.s32 $0x8500;
	s7 =	simm.s32 $0x400;
	s8 =	spop (v2sf)  }
0xea: {  	s9 =	simm.s32 $0x600;
	s8 =	sand.u32 $0x1FFFFFF0, s8;
	s11 =	spop (v2sf)  }
0xeb: {  	s10 =	simm.s32 $0x580;
	(v2sf) =	vpush v1, $0x4;
	s8 =	sadd.s32 s3, s8;
	s13 =	sand.u32 $0x1FFFFFF0, s11  }
0xec: {  	(v2sf) =	vpush v63, $0x4;
	[tilespmem:s7], [sflag:$0x1] =	stream.linear.gather [hbm4b:s8+s1], $0x80, $0x38;
	[tilespmem:$0x10400] =	vst v63  }
0xed: {  	s14 =	spop (v2sf);
	s7 =	simm.s32 $0x8580;
	s8 =	sadd.s32 s4, s13  }
0xee: {  	s11 =	sand.u32 $0x1FFFFFF0, s14;
	s15 =	spop (v2sf);
	s14 =	simm.s32 $0x8600  }
0xef: {  	(v2sf) =	vpush v1, $0x5;
	[tilespmem:s12], [sflag:$0x2] =	stream.linear.gather [hbm4b:s8+s1], $0x80, $0x38;
	[tilespmem:$0x10400] =	vst v63  }
0xf0: {  	s17 =	sadd.s32 s3, s11;
	s20 =	sand.u32 $0x1FFFFFF0, s15;
	s22 =	spop (v2sf)  }
0xf1: {  	(v2sf) =	vpush v63, $0x5;
	[tilespmem:s16], [sflag:$0x1] =	stream.linear.gather [hbm4b:s17+s1], $0x80, $0x38;
	[tilespmem:$0x10400] =	vst v63  }
0xf2: {  	s11 =	sadd.s32 s4, s20;
	s8 =	sand.u32 $0x1FFFFFF0, s22;
	s24 =	spop (v2sf)  }
0xf3: {  	[tilespmem:s21], [sflag:$0x2] =	stream.linear.gather [hbm4b:s11+s1], $0x80, $0x38;
	[tilespmem:$0x10400] =	vst v63  }
0xf4: {  	(v2sf) =	vpush v1, $0x6;
	s8 =	sadd.s32 s3, s8;
	s25 =	spop (v2sf);
	s11 =	sand.u32 $0x1FFFFFF0, s24  }
0xf5: {  	(v2sf) =	vpush v63, $0x6;
	[tilespmem:s23], [sflag:$0x1] =	stream.linear.gather [hbm4b:s8+s1], $0x80, $0x38;
	[tilespmem:$0x10400] =	vst v63  }
0xf6: {  	s30 =	sand.u32 $0x1FFFFFF0, s25;
	s31 =	spop (v2sf);
	s29 =	sadd.s32 s4, s11  }
0xf7: {  	(v2sf) =	vpush v1, $0x7;
	[tilespmem:s26], [sflag:$0x2] =	stream.linear.gather [hbm4b:s29+s1], $0x80, $0x38;
	[tilespmem:$0x10400] =	vst v63  }
0xf8: {  	s12 =	simm.s32 $0x8A00;
	s13 =	sadd.s32 s3, s30;
	s6 =	sand.u32 $0x1FFFFFF0, s31  }
0xf9: {  	[tilespmem:s10], [sflag:$0x1] =	stream.linear.gather [hbm4b:s13+s1], $0x80, $0x38;
	[tilespmem:$0x10400] =	vst v63  }
0xfa: {  	s6 =	sadd.s32 s4, s6;
	s21 =	simm.s32 $0x8680;
	s15 =	spop (v2sf)  }
0xfb: {  	(v2sf) =	vpush v63, $0x7;
	s23 =	simm.s32 $0x700;
	s10 =	sand.u32 $0x1FFFFFF0, s15;
	s16 =	spop (v2sf)  }
0xfc: {  	[tilespmem:s7], [sflag:$0x2] =	stream.linear.gather [hbm4b:s6+s1], $0x80, $0x38;
	[tilespmem:$0x10400] =	vst v63  }
0xfd: {  	s13 =	simm.s32 $0xA80;
	(v2sf) =	vpush v1, $0x8;
	s17 =	sadd.s32 s3, s10;
	s20 =	sand.u32 $0x1FFFFFF0, s16  }
0xfe: {  	s10 =	simm.s32 $0x8A80;
	s22 =	spop (v2sf);
	s7 =	sadd.s32 s4, s20  }
0xff: {  	(v2sf) =	vpush v63, $0x8;
	[tilespmem:s9], [sflag:$0x1] =	stream.linear.gather [hbm4b:s17+s1], $0x80, $0x38;
	[tilespmem:$0x10400] =	vst v63  }
0x100: {  	s24 =	sand.u32 $0x1FFFFFF0, s22;
	s25 =	spop (v2sf);
	s17 =	simm.s32 $0x780  }
0x101: {  	(v2sf) =	vpush v1, $0x9;
	s22 =	simm.s32 $0x8780;
	s8 =	sadd.s32 s3, s24;
	s9 =	sand.u32 $0x1FFFFFF0, s25  }
0x102: {  	(v2sf) =	vpush v63, $0x9;
	[tilespmem:s14], [sflag:$0x2] =	stream.linear.gather [hbm4b:s7+s1], $0x80, $0x38;
	[tilespmem:$0x10400] =	vst v63  }
0x103: {  	s26 =	spop (v2sf);
	s24 =	simm.s32 $0x800;
	s29 =	sadd.s32 s4, s9  }
0x104: {  	(v2sf) =	vpush v1, $0xA;
	s30 =	sand.u32 $0x1FFFFFF0, s26;
	s31 =	spop (v2sf);
	s14 =	simm.s32 $0x8700  }
0x105: {  	[tilespmem:s5], [sflag:$0x1] =	stream.linear.gather [hbm4b:s8+s1], $0x80, $0x38;
	[tilespmem:$0x10400] =	vst v63  }
0x106: {  	(v2sf) =	vpush v63, $0xA;
	s9 =	simm.s32 $0x8880;
	s11 =	sadd.s32 s3, s30;
	s15 =	spop (v2sf)  }
0x107: {  	[tilespmem:s21], [sflag:$0x2] =	stream.linear.gather [hbm4b:s29+s1], $0x80, $0x38;
	[tilespmem:$0x10400] =	vst v63  }
0x108: {  	s6 =	sand.u32 $0x1FFFFFF0, s31;
	(v2sf) =	vpush v1, $0xB;
	s5 =	simm.s32 $0x8980;
	s8 =	sand.u32 $0x1FFFFFF0, s15  }
0x109: {  	[tilespmem:s23], [sflag:$0x1] =	stream.linear.gather [hbm4b:s11+s1], $0x80, $0x38;
	[tilespmem:$0x10400] =	vst v63  }
0x10a: {  	s6 =	sadd.s32 s4, s6;
	s16 =	spop (v2sf);
	s20 =	sadd.s32 s3, s8  }
0x10b: {  	[tilespmem:s14], [sflag:$0x2] =	stream.linear.gather [hbm4b:s6+s1], $0x80, $0x38;
	[tilespmem:$0x10400] =	vst v63  }
0x10c: {  	(v2sf) =	vpush v63, $0xB;
	s21 =	sand.u32 $0x1FFFFFF0, s16;
	s29 =	simm.s32 $0x8800;
	s23 =	spop (v2sf)  }
0x10d: {  	[tilespmem:s17], [sflag:$0x1] =	stream.linear.gather [hbm4b:s20+s1], $0x80, $0x38;
	[tilespmem:$0x10400] =	vst v63  }
0x10e: {  	s8 =	sadd.s32 s4, s21;
	s7 =	sand.u32 $0x1FFFFFF0, s23;
	s25 =	spop (v2sf)  }
0x10f: {  	[tilespmem:s22], [sflag:$0x2] =	stream.linear.gather [hbm4b:s8+s1], $0x80, $0x38;
	[tilespmem:$0x10400] =	vst v63  }
0x110: {  	s14 =	simm.s32 $0x900;
	(v2sf) =	vpush v1, $0xC;
	s7 =	sadd.s32 s3, s7;
	s26 =	spop (v2sf)  }
0x111: {  	s8 =	sand.u32 $0x1FFFFFF0, s25;
	(v2sf) =	vpush v63, $0xC;
	s25 =	simm.s32 $0x980;
	s11 =	spop (v2sf)  }
0x112: {  	[tilespmem:s24], [sflag:$0x1] =	stream.linear.gather [hbm4b:s7+s1], $0x80, $0x38;
	[tilespmem:$0x10400] =	vst v63  }
0x113: {  	s30 =	sadd.s32 s4, s8;
	s31 =	sand.u32 $0x1FFFFFF0, s26;
	s15 =	spop (v2sf)  }
0x114: {  	[tilespmem:s29], [sflag:$0x2] =	stream.linear.gather [hbm4b:s30+s1], $0x80, $0x38;
	[tilespmem:$0x10400] =	vst v63  }
0x115: {  	s8 =	sadd.s32 s3, s31;
	s7 =	sand.u32 $0x1FFFFFF0, s11;
	s16 =	spop (v2sf)  }
0x116: {  	[tilespmem:s2], [sflag:$0x1] =	stream.linear.gather [hbm4b:s8+s1], $0x80, $0x38;
	[tilespmem:$0x10400] =	vst v63  }
0x117: {  	s7 =	sadd.s32 s4, s7;
	s21 =	spop (v2sf);
	s8 =	sand.u32 $0x1FFFFFF0, s15  }
0x118: {  	[tilespmem:s9], [sflag:$0x2] =	stream.linear.gather [hbm4b:s7+s1], $0x80, $0x38;
	[tilespmem:$0x10400] =	vst v63  }
0x119: {  	s20 =	sand.u32 $0x1FFFFFF0, s16;
	s23 =	sand.u32 $0x1FFFFFF0, s21;
	s17 =	sadd.s32 s3, s8  }
0x11a: {  	[tilespmem:s14], [sflag:$0x1] =	stream.linear.gather [hbm4b:s17+s1], $0x80, $0x38;
	[tilespmem:$0x10400] =	vst v63  }
0x11b: {  	s22 =	sadd.s32 s4, s20;
	s24 =	spop (v2sf);
	s26 =	sadd.s32 s3, s23  }
0x11c: {  	(v2sf) =	vpush v1, $0xD;
	[tilespmem:s0], [sflag:$0x2] =	stream.linear.gather [hbm4b:s22+s1], $0x80, $0x38;
	[tilespmem:$0x10400] =	vst v63  }
0x11d: {  	(v2sf) =	vpush v63, $0xD;
	s29 =	sand.u32 $0x1FFFFFF0, s24;
	s23 =	simm.s32 $0x110;
	s24 =	simm.s32 $0x310  }
0x11e: {  	(v2sf) =	vpush v1, $0xE;
	[tilespmem:s25], [sflag:$0x1] =	stream.linear.gather [hbm4b:s26+s1], $0x80, $0x38;
	[tilespmem:$0x10400] =	vst v63  }
0x11f: {  	s30 =	sadd.s32 s4, s29;
	(v2sf) =	vpush v63, $0xE;
	s31 =	spop (v2sf);
	s26 =	simm.s32 $0xB00  }
0x120: {  	(v2sf) =	vpush v1, $0xF;
	s25 =	simm.s32 $0x8B00;
	s0 =	sand.u32 $0x1FFFFFF0, s31;
	s2 =	spop (v2sf)  }
0x121: {  	(v2sf) =	vpush v63, $0xF;
	[tilespmem:s5], [sflag:$0x2] =	stream.linear.gather [hbm4b:s30+s1], $0x80, $0x38;
	[tilespmem:$0x10400] =	vst v63  }
.LBB2_4:
0x122: {  	_ =	sdelay $0x4  }
0x123: {  	s0 =	sadd.s32 s3, s0;
	s2 =	sand.u32 $0x1FFFFFF0, s2  }
0x124: {  	[tilespmem:s28], [sflag:$0x1] =	stream.linear.gather [hbm4b:s0+s1], $0x80, $0x38;
	[tilespmem:$0x10400] =	vst v63  }
0x125: {  	s29 =	sadd.s32 s4, s2  }
0x126: {  	[tilespmem:s12], [sflag:$0x2] =	stream.linear.gather [hbm4b:s29+s1], $0x80, $0x38;
	[tilespmem:$0x10400] =	vst v63  }
0x127: {  	s5 =	spop (v2sf)  }
0x128: {  	s30 =	sand.u32 $0x1FFFFFF0, s5;
	s31 =	spop (v2sf)  }
0x129: {  	s2 =	sadd.s32 s3, s30;
	s5 =	sand.u32 $0x1FFFFFF0, s31;
	s6 =	spop (v2sf)  }
0x12a: {  	[tilespmem:s13], [sflag:$0x1] =	stream.linear.gather [hbm4b:s2+s1], $0x80, $0x38;
	[tilespmem:$0x10400] =	vst v63  }
0x12b: {  	s7 =	sadd.s32 s4, s5;
	s8 =	sand.u32 $0x1FFFFFF0, s6;
	s9 =	spop (v2sf)  }
0x12c: {  	[tilespmem:s10], [sflag:$0x2] =	stream.linear.gather [hbm4b:s7+s1], $0x80, $0x38;
	[tilespmem:$0x10400] =	vst v63  }
0x12d: {  	s11 =	sand.u32 $0x1FFFFFF0, s9;
	s12 =	spop (v2sf);
	s10 =	sadd.s32 s3, s8  }
0x12e: {  	[tilespmem:s26], [sflag:$0x1] =	stream.linear.gather [hbm4b:s10+s1], $0x80, $0x38;
	[tilespmem:$0x10400] =	vst v63  }
0x12f: {  	s13 =	sadd.s32 s4, s11;
	s14 =	sand.u32 $0x1FFFFFF0, s12;
	s15 =	spop (v2sf)  }
0x130: {  	[tilespmem:s25], [sflag:$0x2] =	stream.linear.gather [hbm4b:s13+s1], $0x80, $0x38;
	[tilespmem:$0x10400] =	vst v63  }
0x131: {  	s16 =	sadd.s32 $0xB80, s18;
	s2 =	sadd.s32 s3, s14;
	s5 =	sand.u32 $0x1FFFFFF0, s15  }
0x132: {  	[tilespmem:s16], [sflag:$0x1] =	stream.linear.gather [hbm4b:s2+s1], $0x80, $0x38;
	[tilespmem:$0x10400] =	vst v63  }
0x133: {  	s17 =	sadd.s32 $0x8B80, s18;
	s18 =	sadd.s32 s4, s5  }
0x134: {  	[tilespmem:s17], [sflag:$0x2] =	stream.linear.gather [hbm4b:s18+s1], $0x80, $0x38;
	[tilespmem:$0x10400] =	vst v63  }
0x135: {  	v0 =	vld [tilespmem:s23+$0x0]  }
0x136: {  	v2 =	vld [tilespmem:s24+$0x0];
	_ =	sdelay $0x3  }
0x137: {  	v1 =	vshll.u32 v0, $0x4  }
0x138: {  	s20 =	smov.u32 s19;
	v63 =	vshll.u32 v2, $0x4;
	(v2sf) =	vpush v1, $0x0  }
0x139: {  	s18 =	sshra.s32 s20, $0x2;
	(v2sf) =	vpush v63, $0x0  }
0x13a: {  	p0 =	sne.s32 s19, $0x1E000;
	s19 =	sadd.s32 $0x2000, s19;
	s30 =	sadd.s32 $0x8400, s18;
	(v2sf) =	vpush v1, $0x1  }
0x13b: {  	s6 =	sadd.s32 $0x680, s18;
	s0 =	sadd.s32 $0x880, s18;
	s29 =	sadd.s32 $0x400, s18  }
0x13c: {  	s13 =	sadd.s32 $0x600, s18;
	s21 =	sadd.s32 $0x8900, s18;
	s12 =	sadd.s32 $0x580, s18;
	(v2sf) =	vpush v63, $0x1  }
0x13d: {  	s17 =	sadd.s32 $0x8580, s18;
	s22 =	sadd.s32 $0x8A00, s18;
	s20 =	sadd.s32 $0x500, s18  }
0x13e: {  	s14 =	sadd.s32 $0x8600, s18;
	s5 =	sadd.s32 $0xA80, s18;
	s31 =	sadd.s32 $0x8480, s18;
	(v2sf) =	vpush v1, $0x2  }
0x13f: {  	s11 =	sadd.s32 $0x8680, s18;
	s10 =	sadd.s32 $0x700, s18;
	[dreg:$0x9] =	wrdreg s0  }
0x140: {  	s25 =	sadd.s32 $0x8980, s18;
	s26 =	sadd.s32 $0x8A80, s18;
	[dreg:$0x5] =	wrdreg s21;
	(v2sf) =	vpush v63, $0x2  }
0x141: {  	s9 =	sadd.s32 $0x8700, s18;
	s7 =	sadd.s32 $0x8880, s18;
	[dreg:$0x13] =	wrdreg s22  }
0x142: {  	s8 =	sadd.s32 $0x900, s18;
	s15 =	sadd.s32 $0x8800, s18;
	[dreg:$0x7] =	wrdreg s25;
	(v2sf) =	vpush v1, $0x3  }
0x143: {  	s28 =	sadd.s32 $0xA00, s18;
	s16 =	sadd.s32 $0x800, s18;
	[dreg:$0x15] =	wrdreg s26  }
0x144: {  	s23 =	sadd.s32 $0x10, s23;
	s24 =	sadd.s32 $0x10, s24;
	[dreg:$0xd] =	wrdreg s7;
	(v2sf) =	vpush v63, $0x3  }
0x145: {  	s2 =	sadd.s32 $0x980, s18;
	s0 =	sadd.s32 $0x8500, s18;
	[dreg:$0xb] =	wrdreg s8  }
0x146: {  	s8 =	sadd.s32 $0x780, s18;
	[dreg:$0xf] =	wrdreg s15;
	s15 =	sadd.s32 $0x480, s18;
	(v2sf) =	vpush v1, $0x4  }
0x147: {  	s7 =	sadd.s32 $0x8780, s18;
	[dreg:$0x11] =	wrdreg s16;
	s21 =	spop (v2sf)  }
0x148: {  	s26 =	sadd.s32 $0xB00, s18;
	s21 =	sand.u32 $0x1FFFFFF0, s21;
	s22 =	spop (v2sf);
	(v2sf) =	vpush v63, $0x4  }
0x149: {  	s21 =	sadd.s32 s3, s21;
	s22 =	sand.u32 $0x1FFFFFF0, s22;
	s16 =	spop (v2sf)  }
0x14a: {  	(v2sf) =	vpush v1, $0x5;
	[tilespmem:s29], [sflag:$0x1] =	stream.linear.gather [hbm4b:s21+s1], $0x80, $0x38;
	[tilespmem:$0x10400] =	vst v63  }
0x14b: {  	s22 =	sadd.s32 s4, s22;
	s16 =	sand.u32 $0x1FFFFFF0, s16;
	s29 =	spop (v2sf);
	(v2sf) =	vpush v63, $0x5  }
0x14c: {  	[tilespmem:s30], [sflag:$0x2] =	stream.linear.gather [hbm4b:s22+s1], $0x80, $0x38;
	[tilespmem:$0x10400] =	vst v63  }
0x14d: {  	s16 =	sadd.s32 s3, s16;
	s29 =	sand.u32 $0x1FFFFFF0, s29;
	s30 =	spop (v2sf);
	(v2sf) =	vpush v1, $0x6  }
0x14e: {  	[tilespmem:s15], [sflag:$0x1] =	stream.linear.gather [hbm4b:s16+s1], $0x80, $0x38;
	[tilespmem:$0x10400] =	vst v63  }
0x14f: {  	s21 =	sand.u32 $0x1FFFFFF0, s30;
	s22 =	spop (v2sf);
	(v2sf) =	vpush v63, $0x6;
	s16 =	sadd.s32 s4, s29  }
0x150: {  	[tilespmem:s31], [sflag:$0x2] =	stream.linear.gather [hbm4b:s16+s1], $0x80, $0x38;
	[tilespmem:$0x10400] =	vst v63  }
0x151: {  	s29 =	sadd.s32 s3, s21;
	s30 =	sand.u32 $0x1FFFFFF0, s22;
	s31 =	spop (v2sf)  }
0x152: {  	(v2sf) =	vpush v1, $0x7;
	[tilespmem:s20], [sflag:$0x1] =	stream.linear.gather [hbm4b:s29+s1], $0x80, $0x38;
	[tilespmem:$0x10400] =	vst v63  }
0x153: {  	s21 =	sand.u32 $0x1FFFFFF0, s31;
	s22 =	spop (v2sf);
	s20 =	sadd.s32 s4, s30  }
0x154: {  	(v2sf) =	vpush v63, $0x7;
	[tilespmem:s0], [sflag:$0x2] =	stream.linear.gather [hbm4b:s20+s1], $0x80, $0x38;
	[tilespmem:$0x10400] =	vst v63  }
0x155: {  	s29 =	sadd.s32 s3, s21;
	s30 =	sand.u32 $0x1FFFFFF0, s22;
	s31 =	spop (v2sf)  }
0x156: {  	[tilespmem:s12], [sflag:$0x1] =	stream.linear.gather [hbm4b:s29+s1], $0x80, $0x38;
	[tilespmem:$0x10400] =	vst v63  }
0x157: {  	s21 =	sand.u32 $0x1FFFFFF0, s31;
	s20 =	sadd.s32 s4, s30;
	s22 =	spop (v2sf)  }
0x158: {  	(v2sf) =	vpush v1, $0x8;
	[tilespmem:s17], [sflag:$0x2] =	stream.linear.gather [hbm4b:s20+s1], $0x80, $0x38;
	[tilespmem:$0x10400] =	vst v63  }
0x159: {  	s25 =	sadd.s32 $0x8B00, s18;
	s29 =	sadd.s32 s3, s21;
	s31 =	spop (v2sf)  }
0x15a: {  	s12 =	rddreg [dreg:$0x13];
	(v2sf) =	vpush v63, $0x8;
	s30 =	sand.u32 $0x1FFFFFF0, s22;
	s20 =	spop (v2sf)  }
0x15b: {  	(v2sf) =	vpush v1, $0x9;
	[tilespmem:s13], [sflag:$0x1] =	stream.linear.gather [hbm4b:s29+s1], $0x80, $0x38;
	[tilespmem:$0x10400] =	vst v63  }
0x15c: {  	s16 =	sadd.s32 s4, s30;
	s17 =	sand.u32 $0x1FFFFFF0, s31;
	s29 =	spop (v2sf)  }
0x15d: {  	(v2sf) =	vpush v63, $0x9;
	[tilespmem:s14], [sflag:$0x2] =	stream.linear.gather [hbm4b:s16+s1], $0x80, $0x38;
	[tilespmem:$0x10400] =	vst v63  }
0x15e: {  	s22 =	sand.u32 $0x1FFFFFF0, s20;
	s13 =	smov.u32 s5;
	s5 =	spop (v2sf)  }
0x15f: {  	s21 =	sadd.s32 s3, s17;
	s30 =	sadd.s32 s4, s22;
	s14 =	sand.u32 $0x1FFFFFF0, s5  }
0x160: {  	[tilespmem:s6], [sflag:$0x1] =	stream.linear.gather [hbm4b:s21+s1], $0x80, $0x38;
	[tilespmem:$0x10400] =	vst v63  }
0x161: {  	(v2sf) =	vpush v1, $0xA;
	s31 =	sand.u32 $0x1FFFFFF0, s29;
	s16 =	sadd.s32 s4, s14;
	s15 =	spop (v2sf)  }
0x162: {  	[tilespmem:s11], [sflag:$0x2] =	stream.linear.gather [hbm4b:s30+s1], $0x80, $0x38;
	[tilespmem:$0x10400] =	vst v63  }
0x163: {  	(v2sf) =	vpush v63, $0xA;
	s11 =	sadd.s32 s3, s31;
	s17 =	sand.u32 $0x1FFFFFF0, s15;
	s20 =	spop (v2sf)  }
0x164: {  	[tilespmem:s10], [sflag:$0x1] =	stream.linear.gather [hbm4b:s11+s1], $0x80, $0x38;
	[tilespmem:$0x10400] =	vst v63  }
0x165: {  	s21 =	sadd.s32 s3, s17;
	s22 =	sand.u32 $0x1FFFFFF0, s20;
	s10 =	rddreg [dreg:$0x15]  }
0x166: {  	[tilespmem:s9], [sflag:$0x2] =	stream.linear.gather [hbm4b:s16+s1], $0x80, $0x38;
	[tilespmem:$0x10400] =	vst v63  }
0x167: {  	(v2sf) =	vpush v1, $0xB;
	s29 =	spop (v2sf);
	s30 =	sadd.s32 s4, s22;
	s22 =	rddreg [dreg:$0x9]  }
0x168: {  	[tilespmem:s8], [sflag:$0x1] =	stream.linear.gather [hbm4b:s21+s1], $0x80, $0x38;
	[tilespmem:$0x10400] =	vst v63  }
0x169: {  	(v2sf) =	vpush v63, $0xB;
	s31 =	sand.u32 $0x1FFFFFF0, s29;
	s9 =	rddreg [dreg:$0x11];
	s5 =	spop (v2sf)  }
0x16a: {  	(v2sf) =	vpush v1, $0xC;
	s6 =	sadd.s32 s3, s31;
	s16 =	rddreg [dreg:$0xf];
	s8 =	spop (v2sf)  }
0x16b: {  	[tilespmem:s7], [sflag:$0x2] =	stream.linear.gather [hbm4b:s30+s1], $0x80, $0x38;
	[tilespmem:$0x10400] =	vst v63  }
0x16c: {  	(v2sf) =	vpush v63, $0xC;
	s7 =	sand.u32 $0x1FFFFFF0, s5;
	s14 =	sand.u32 $0x1FFFFFF0, s8;
	s15 =	spop (v2sf)  }
0x16d: {  	[tilespmem:s9], [sflag:$0x1] =	stream.linear.gather [hbm4b:s6+s1], $0x80, $0x38;
	[tilespmem:$0x10400] =	vst v63  }
0x16e: {  	s8 =	rddreg [dreg:$0xd];
	s11 =	sadd.s32 s4, s7;
	s17 =	sadd.s32 s3, s14  }
0x16f: {  	[tilespmem:s16], [sflag:$0x2] =	stream.linear.gather [hbm4b:s11+s1], $0x80, $0x38;
	[tilespmem:$0x10400] =	vst v63  }
0x170: {  	s20 =	sand.u32 $0x1FFFFFF0, s15;
	s15 =	rddreg [dreg:$0xb];
	s21 =	spop (v2sf)  }
0x171: {  	[tilespmem:s22], [sflag:$0x1] =	stream.linear.gather [hbm4b:s17+s1], $0x80, $0x38;
	[tilespmem:$0x10400] =	vst v63  }
0x172: {  	s29 =	sadd.s32 s4, s20;
	s30 =	sand.u32 $0x1FFFFFF0, s21;
	s31 =	spop (v2sf)  }
0x173: {  	[tilespmem:s8], [sflag:$0x2] =	stream.linear.gather [hbm4b:s29+s1], $0x80, $0x38;
	[tilespmem:$0x10400] =	vst v63  }
0x174: {  	s21 =	rddreg [dreg:$0x5];
	s9 =	sadd.s32 s3, s30;
	s11 =	sand.u32 $0x1FFFFFF0, s31  }
0x175: {  	[tilespmem:s15], [sflag:$0x1] =	stream.linear.gather [hbm4b:s9+s1], $0x80, $0x38;
	[tilespmem:$0x10400] =	vst v63  }
0x176: {  	s31 =	rddreg [dreg:$0x7];
	s16 =	sadd.s32 s4, s11;
	s14 =	spop (v2sf)  }
0x177: {  	(v2sf) =	vpush v1, $0xD;
	[tilespmem:s21], [sflag:$0x2] =	stream.linear.gather [hbm4b:s16+s1], $0x80, $0x38;
	[tilespmem:$0x10400] =	vst v63  }
.Ltmp1:
0x178: {  	(v2sf) =	vpush v63, $0xD;
	s17 =	sand.u32 $0x1FFFFFF0, s14;
	s20 =	spop (v2sf);
	(pc) =	sbr.rel @p0 .LBB2_4-.Ltmp1, $4  }
0x179: {  	(v2sf) =	vpush v1, $0xE;
	s22 =	sadd.s32 s3, s17;
	s29 =	sand.u32 $0x1FFFFFF0, s20;
	s30 =	spop (v2sf)  }
0x17a: {  	(v2sf) =	vpush v63, $0xE;
	[tilespmem:s2], [sflag:$0x1] =	stream.linear.gather [hbm4b:s22+s1], $0x80, $0x38;
	[tilespmem:$0x10400] =	vst v63  }
0x17b: {  	(v2sf) =	vpush v1, $0xF;
	s5 =	sadd.s32 s4, s29;
	s0 =	sand.u32 $0x1FFFFFF0, s30;
	s2 =	spop (v2sf)  }
0x17c: {  	(v2sf) =	vpush v63, $0xF;
	[tilespmem:s31], [sflag:$0x2] =	stream.linear.gather [hbm4b:s5+s1], $0x80, $0x38;
	[tilespmem:$0x10400] =	vst v63  }
0x17d: {  	_ =	sdelay $0x4  }
0x17e: {  	s0 =	sadd.s32 s3, s0;
	s2 =	sand.u32 $0x1FFFFFF0, s2  }
0x17f: {  	[tilespmem:s28], [sflag:$0x1] =	stream.linear.gather [hbm4b:s0+s1], $0x80, $0x38;
	[tilespmem:$0x10400] =	vst v63  }
0x180: {  	s29 =	sadd.s32 s4, s2  }
0x181: {  	[tilespmem:s12], [sflag:$0x2] =	stream.linear.gather [hbm4b:s29+s1], $0x80, $0x38;
	[tilespmem:$0x10400] =	vst v63  }
0x182: {  	s5 =	spop (v2sf)  }
0x183: {  	s30 =	sand.u32 $0x1FFFFFF0, s5;
	s31 =	spop (v2sf)  }
0x184: {  	s6 =	sadd.s32 s3, s30;
	s7 =	sand.u32 $0x1FFFFFF0, s31;
	s8 =	spop (v2sf)  }
0x185: {  	[tilespmem:s13], [sflag:$0x1] =	stream.linear.gather [hbm4b:s6+s1], $0x80, $0x38;
	[tilespmem:$0x10400] =	vst v63  }
0x186: {  	s9 =	sadd.s32 s4, s7;
	s11 =	sand.u32 $0x1FFFFFF0, s8;
	s12 =	spop (v2sf)  }
0x187: {  	[tilespmem:s10], [sflag:$0x2] =	stream.linear.gather [hbm4b:s9+s1], $0x80, $0x38;
	[tilespmem:$0x10400] =	vst v63  }
0x188: {  	s13 =	sadd.s32 s3, s11;
	s14 =	sand.u32 $0x1FFFFFF0, s12;
	s15 =	spop (v2sf)  }
0x189: {  	[tilespmem:s26], [sflag:$0x1] =	stream.linear.gather [hbm4b:s13+s1], $0x80, $0x38;
	[tilespmem:$0x10400] =	vst v63  }
0x18a: {  	s16 =	sadd.s32 s4, s14;
	s17 =	sand.u32 $0x1FFFFFF0, s15;
	s19 =	spop (v2sf)  }
0x18b: {  	[tilespmem:s25], [sflag:$0x2] =	stream.linear.gather [hbm4b:s16+s1], $0x80, $0x38;
	[tilespmem:$0x10400] =	vst v63  }
0x18c: {  	s20 =	sadd.s32 $0xB80, s18;
	s2 =	sadd.s32 s3, s17;
	s5 =	sand.u32 $0x1FFFFFF0, s19  }
0x18d: {  	[tilespmem:s20], [sflag:$0x1] =	stream.linear.gather [hbm4b:s2+s1], $0x80, $0x38;
	[tilespmem:$0x10400] =	vst v63  }
0x18e: {  	s21 =	sadd.s32 $0x8B80, s18;
	s23 =	simm.s32 $0x1;
	s22 =	sadd.s32 s4, s5  }
0x18f: {  	[tilespmem:s21], [sflag:$0x2] =	stream.linear.gather [hbm4b:s22+s1], $0x80, $0x38;
	[tilespmem:$0x10400] =	vst v63  }
0x190: {  	_ =	swait.ge [sflag:s23], $0x8000  }
0x191: {  	[sflag:s23] =	ssyncset.done $0x0  }
0x192: {  	s24 =	simm.s32 $0x2;
	[sflag:s23] =	ssyncadd.s32 $0xFFFF8000  }
0x193: {  	_ =	swait.ge [sflag:s24], $0x8000  }
0x194: {  	s26 =	simm.s32 $0x400;
	[sflag:s24] =	ssyncset.done $0x0  }
0x195: {  	s5 =	simm.s32 $0x3;
	s25 =	rddreg [dreg:$0x1a];
	[sflag:s24] =	ssyncadd.s32 $0xFFFF8000  }
0x196: {  	[hbm4b:s25+s1] =	stream.linear.scatter [tilespmem:s26], [sflag:$0x3], $0x8000, $0x38;
	[tilespmem:$0x10400] =	vst v63  }
0x197: {  	_ =	swait.ge [sflag:s5], $0x8000  }
0x198: {  	[sflag:s5] =	ssyncset.done $0x0  }
0x199: {  	s29 =	simm.s32 $0x8400;
	s28 =	rddreg [dreg:$0x1b];
	[sflag:s5] =	ssyncadd.s32 $0xFFFF8000  }
0x19a: {  	[hbm4b:s28+s1] =	stream.linear.scatter [tilespmem:s29], [sflag:$0x3], $0x8000, $0x38;
	[tilespmem:$0x10400] =	vst v63  }
0x19b: {  	_ =	swait.ge [sflag:s5], $0x8000  }
0x19c: {  	s30 =	rddreg [dreg:$0x1d]  }
0x19d: {  	s31 =	rddreg [dreg:$0x1c];
	s2 =	sadd.s32 $0x1, s30  }
0x19e: {  	p0 =	sne.s32 s2, s31  }
.Ltmp2:
0x19f: {  	_ = 	snop;
	(pc) =	sbr.rel @p0 .LBB2_1-.Ltmp2, $3  }
0x1a0: {  	_ =	sdelay $0x1  }
0x1a1: {  	[sflag:s5] =	ssyncset.done $0x0  }
0x1a2: {  	[sflag:s5] =	ssyncadd.s32 $0xFFFF8000  }
0x1a3: {  	_ =	sfence.sel $0x180000  }
0x1a4: {  	[bflag:$0x0] =	sbarrier.arrive $0xFFFF  }
0x1a5: {  	_ =	strace $0x90000047  }
0x1a6: {  	s0 =	stileid.u32;
	[bflag:$0x2] =	sbarrier.arrive $0xFFFF  }
0x1a7: {  	p0 =	sne.s32 s0, $0x0;
	s0 =	rddreg [dreg:$0x3]  }
0x1a8: {  	s0 =	sadd.s32 @!p0 $0x100000, s0  }
0x1a9: {  	[sflag:s0] =	ssyncadd.tile.s32 @!p0 $0x1;
	_ =	shalt  }
.Lfunc_end2:
_tile_overlayer_lowered:
.L_overlay_start_2:
0x1aa: {  	(tag) =	ssettag $0x2  }
0x1ab: {  	s0 =	rddreg [dreg:$0x0];
	s2 =	stileid.u32  }
0x1ac: {  	s1 =	rddreg [dreg:$0x1];
	p0 =	sne.s32 s2, $0x0  }
0x1ad: {  	s3 =	rddreg [dreg:$0x2];
	[bflag:$0x3] =	sbarrier.arrive $0xFFFF;
	s2 =	simm.s32 @!p0 $0x1C03  }
0x1ae: {  	[timem:s3], [sflag:s2] =	dma.local @!p0 [hbm:s0], s1  }
0x1af: {  	s0 =	simm.s32 @!p0 $0x3  }
0x1b0: {  	_ =	swait.ge @!p0 [sflag:s0], s1  }
0x1b1: {  	s1 =	ssub.s32 @!p0 $0x0, s1;
	[sflag:s0] =	ssyncset.done @!p0 $0x0  }
0x1b2: {  	[sflag:s0] =	ssyncadd.s32 @!p0 s1  }
0x1b3: {  	[bflag:$0x3] =	sbarrier.arrive $0xFFFF  }
0x1b4: {  	_ =	shalt  }

</sc_bundles>
